<compile_context>
chip_gen: v7x
topology: tpu7x:2x2x1
jax: 0.10.2.dev20260603
libtpu: 0.0.44.dev20260713+nightly
codegen_flags: <defaults>
</compile_context>

<pallas_src>
import jax
import jax.numpy as jnp
from jax import lax
from jax.experimental import pallas as pl
from jax.experimental.pallas import tpu as pltpu
from jax.experimental.pallas import tpu_sc as plsc
from jax._src.pallas import mpmd as _mpmd

_NW = 32
_SCAN_CH = 4096
_WROWS = 512


def _body(mem_f, idx_hbm, val_f, out_f, wv, idxb, mlist, blist, pbuf, wbuf,
          sidx, wcnt, sem):
    c = lax.axis_index("c")
    s = lax.axis_index("s")
    wid = s * 2 + c
    b_total = idx_hbm.shape[0]
    n_el = out_f.shape[0]
    mrows = n_el // 16
    shard = mrows // _NW
    lo = wid * shard
    ghalf = n_el // 2
    vghalf = val_f.shape[0] // 2
    lane = lax.iota(jnp.int32, 16)
    vregs_per_win = _WROWS // 16

    neg1 = jnp.full((16,), -1, jnp.int32)

    def init_body(i, carry):
        wv[pl.ds(i * 16, 16)] = neg1
        return carry

    lax.fori_loop(0, shard // 16, init_body, 0)

    def scan_chunk(ci, carry):
        b0 = ci * _SCAN_CH
        pltpu.sync_copy(idx_hbm.at[pl.ds(b0, _SCAN_CH)], idxb)

        def scan_vec(vi, carry2):
            for u in range(4):
                base = vi * 64 + u * 16
                m = idxb[pl.ds(base, 16)]
                pos = (b0 + base) + lane
                inr = jnp.logical_and(m >= lo, m < lo + shard)
                _, lastm = plsc.scan_count(m, inr)
                plsc.store_scatter(wv, [m - lo], pos, mask=lastm)
            return carry2

        lax.fori_loop(0, _SCAN_CH // 64, scan_vec, 0)
        return carry

    lax.fori_loop(0, b_total // _SCAN_CH, scan_chunk, 0)

    wcnt[0] = jnp.int32(0)

    def compact_vec(vi, ptr):
        w = wv[pl.ds(vi * 16, 16)]
        valid = w >= 0
        mvals = (lo + vi * 16) + lane
        plsc.store_compressed(mlist.at[pl.ds(ptr, 16)], mvals, mask=valid)
        plsc.store_compressed(blist.at[pl.ds(ptr, 16)], w, mask=valid)
        ptr2 = ptr + jnp.sum(valid.astype(jnp.int32))

        @pl.when((vi + 1) % vregs_per_win == 0)
        def _():
            wcnt[(vi + 1) // vregs_per_win] = ptr2

        return ptr2

    lax.fori_loop(0, shard // 16, compact_vec, jnp.int32(0))

    def window(wi, carry):
        p0 = wcnt[wi]
        p1 = wcnt[wi + 1]
        nw = p1 - p0
        nk = (nw + 15) // 16
        off0 = (lo // 128 + wi * (_WROWS // 128)) * 1024
        plen = _WROWS * 8
        ld0 = pltpu.make_async_copy(mem_f.at[pl.ds(off0, plen)],
                                    pbuf.at[pl.ds(0, plen)], sem)
        ld1 = pltpu.make_async_copy(mem_f.at[pl.ds(ghalf + off0, plen)],
                                    pbuf.at[pl.ds(plen, plen)], sem)
        ld0.start()
        ld1.start()
        ld0.wait()
        ld1.wait()

        def build_vec(k, carry2):
            off = p0 + k * 16
            msk = (off + lane) < p1
            bw = jnp.where(msk, blist[pl.ds(off, 16)], 0)
            vb = ((bw >> 7) << 10) + (bw & 127)
            jj = k * 256 + lane * 16
            for d in range(16):
                g, r = d // 8, d % 8
                plsc.store_scatter(sidx, [jj + d], vb + (g * vghalf + r * 128))
            return carry2

        lax.fori_loop(0, ((nw + 31) // 32) * 2, build_vec, 0)

        for st in range(_WROWS // 32):
            @pl.when(st * 32 < nw)
            def _():
                pltpu.make_async_copy(
                    val_f.at[sidx.at[pl.ds(st * 512, 512)]],
                    wbuf.at[pl.ds(st * 512, 512)], sem).start()
        for st in range(_WROWS // 32):
            @pl.when(st * 32 < nw)
            def _():
                pltpu.make_async_copy(
                    val_f.at[sidx.at[pl.ds(st * 512, 512)]],
                    wbuf.at[pl.ds(st * 512, 512)], sem).wait()

        def apply_vec(k, carry2):
            off = p0 + k * 16
            msk = (off + lane) < p1
            mw = jnp.where(msk, mlist[pl.ds(off, 16)], lo + wi * _WROWS)
            rel = mw - (lo + wi * _WROWS)
            li0 = ((rel >> 7) << 10) + (rel & 127)
            jj = (k * 16 + lane) * 16
            for d in range(16):
                g, r = d // 8, d % 8
                colv = plsc.load_gather(wbuf, [jj + d], mask=msk)
                plsc.store_scatter(pbuf, [li0 + (g * plen + r * 128)], colv,
                                   mask=msk)
            return carry2

        lax.fori_loop(0, nk, apply_vec, 0)
        st0 = pltpu.make_async_copy(pbuf.at[pl.ds(0, plen)],
                                    out_f.at[pl.ds(off0, plen)], sem)
        st1 = pltpu.make_async_copy(pbuf.at[pl.ds(plen, plen)],
                                    out_f.at[pl.ds(ghalf + off0, plen)], sem)
        st0.start()
        st1.start()
        st0.wait()
        st1.wait()
        return carry

    lax.fori_loop(0, shard // _WROWS, window, 0)


def kernel(mem, idx, val):
    m, d = mem.shape
    b = idx.shape[0]

    def native_flat(x):
        n = x.shape[0]
        return jnp.reshape(
            jnp.transpose(
                jnp.reshape(jnp.transpose(x), (d // 8, 8, n // 128, 128)),
                (0, 2, 1, 3),
            ),
            (n * d,),
        )

    mem_f = native_flat(mem)
    val_f = native_flat(val)
    mesh = plsc.VectorSubcoreMesh(core_axis_name="c", subcore_axis_name="s")
    f = _mpmd._mpmd_map(
        [(mesh, _body)],
        jax.ShapeDtypeStruct((m * d,), mem.dtype),
        input_output_aliases={},
        scratch_types=[
            pltpu.VMEM((m // _NW,), jnp.int32),
            pltpu.VMEM((_SCAN_CH,), jnp.int32),
            pltpu.VMEM((m // _NW + 16,), jnp.int32),
            pltpu.VMEM((m // _NW + 16,), jnp.int32),
            pltpu.VMEM((_WROWS * 16,), jnp.float32),
            pltpu.VMEM((_WROWS * 16,), jnp.float32),
            pltpu.VMEM((_WROWS * 16,), jnp.int32),
            pltpu.SMEM((m // _NW // _WROWS + 1,), jnp.int32),
            pltpu.SemaphoreType.DMA,
        ],
        compiler_params=pltpu.CompilerParams(
            use_tc_tiling_on_sc=False, needs_layout_passes=False
        ),
        interpret=False,
        debug=False,
        cost_estimate=None,
        name="sc_scatter_native",
        metadata=None,
    )
    out_f = f(mem_f, idx, val_f)
    return jnp.transpose(
        jnp.reshape(
            jnp.transpose(
                jnp.reshape(out_f, (d // 8, m // 128, 8, 128)), (0, 2, 1, 3)
            ),
            (d, m),
        )
    )

# --- scband reference (transcript-rebuilt; emitter-appended) ---
"""Pipeline reference for scband-legalize-dspram-58737972740314 (READ-ONLY COPY).

The authoritative reference and input builder live on the scoring server;
editing this copy changes nothing except your own understanding.
"""

import jax, jax.numpy as jnp
import numpy as np

M = 1048576
D = 16
B = 262144

def setup_inputs(seed: int = 0) -> dict:
    key = jax.random.key(seed)
    k1, k2, k3 = jax.random.split(key, 3)
    mem = jax.random.normal(k1, (M, D), dtype=jnp.float32)
    idx = jax.random.randint(k2, (B,), 0, M, dtype=jnp.int32)
    val = jax.random.normal(k3, (B, D), dtype=jnp.float32)
    return {"mem": mem, "idx": idx, "val": val}

def reference(mem, idx, val):
    # Core SparseCore-relevant op of LegalizeDSPRAM.legalize: scatter-overwrite of
    # legalized instance locations/occupancy into the per-site memory. The original
    # module delegates min-cost-flow legalization to a C++ extension
    # (dsp_ram_legalization_cpp) and then writes results into site/location arrays
    # (final_locX[indices] = outLocX, available_sites[index] = False). This reference
    # captures that data-movement pattern: indexed scatter writes into a large table.
    out = mem.at[idx].set(val)
    return out

if __name__ == "__main__":
    import jax
    _d = setup_inputs()
    print(jax.jit(kernel)(*tuple(_d.values())))

</pallas_src>

<mosaic_0001>
#map = affine_map<(d0, d1) -> (0)>
module attributes {stable_mosaic.version = 14 : i64} {
  func.func @sc_scatter_native(%arg0: i32, %arg1: i32, %arg2: memref<16777216xf32, #tpu.memory_space<hbm>>, %arg3: memref<262144xi32, #tpu.memory_space<hbm>>, %arg4: memref<4194304xf32, #tpu.memory_space<hbm>>, %arg5: memref<16777216xf32, #tpu.memory_space<hbm>>, %arg6: memref<32768xi32, #tpu.memory_space<vmem>>, %arg7: memref<4096xi32, #tpu.memory_space<vmem>>, %arg8: memref<32784xi32, #tpu.memory_space<vmem>>, %arg9: memref<32784xi32, #tpu.memory_space<vmem>>, %arg10: memref<8192xf32, #tpu.memory_space<vmem>>, %arg11: memref<8192xf32, #tpu.memory_space<vmem>>, %arg12: memref<8192xi32, #tpu.memory_space<vmem>>, %arg13: memref<65xi32, #tpu.memory_space<smem>>, %arg14: memref<!tpu.dma_semaphore, #tpu.memory_space<semaphore_mem>>) attributes {dimension_semantics = [#tpu.dimension_semantics<core_parallel>, #tpu.dimension_semantics<subcore_parallel>], iteration_bounds = array<i64: 2, 16>, scalar_prefetch = 0 : i64, scratch_operands = 9 : i64, tpu.core_type = #tpu.core_type<sc_vector_subcore>, window_params = [{transform_indices = #map}, {transform_indices = #map}, {transform_indices = #map}, {transform_indices = #map}]} {
    %mul3A = arith.constant 2 : i32
    %mul3A_0 = arith.muli %arg1, %mul3A : i32
    %add3A = arith.addi %mul3A_0, %arg0 : i32
    %mul3A_1 = arith.constant 32768 : i32
    %mul3A_2 = arith.muli %add3A, %mul3A_1 : i32
    %iota3A = tpu.iota {dimensions = array<i32: 0>} : vector<16xi32>
    %broadcast_in_dim3A = arith.constant -1 : i32
    %broadcast_in_dim3A_3 = vector.broadcast %broadcast_in_dim3A : i32 to vector<16xi32>
    %scan3A = arith.constant 0 : i32
    %scan3A_4 = arith.constant 0 : i32
    %scan3A_5 = arith.constant 2048 : i32
    %scan3A_6 = arith.addi %scan3A_4, %scan3A_5 : i32
    %scan3A_7 = arith.constant 1 : i32
    scf.for %scan3A_31 = %scan3A_4 to %scan3A_6 step %scan3A_7  : i32 {
      %mul3A_32 = arith.constant 16 : i32
      %mul3A_33 = arith.muli %scan3A_31, %mul3A_32 : i32
      %swap3A_34 = arith.index_cast %mul3A_33 : i32 to index
      %swap3A_35 = tpu.vector_load %arg6[%swap3A_34] {strides = array<i32>} : memref<32768xi32, #tpu.memory_space<vmem>>, vector<16xi32>,
      tpu.vector_store %arg6[%swap3A_34], %broadcast_in_dim3A_3 {strides = array<i32>} : memref<32768xi32, #tpu.memory_space<vmem>>, vector<16xi32>,
    }
    %scan3A_8 = arith.constant 2048 : i32
    %scan3A_9 = arith.constant 0 : i32
    %scan3A_10 = arith.constant 0 : i32
    %scan3A_11 = arith.constant 64 : i32
    %scan3A_12 = arith.addi %scan3A_10, %scan3A_11 : i32
    %scan3A_13 = arith.constant 1 : i32
    scf.for %scan3A_31 = %scan3A_10 to %scan3A_12 step %scan3A_13  : i32 {
      %mul3A_32 = arith.constant 4096 : i32
      %mul3A_33 = arith.muli %scan3A_31, %mul3A_32 : i32
      "tpu.region"() ({
        %run_scoped3A = tpu.sem_alloc : memref<!tpu.dma_semaphore, #tpu.memory_space<semaphore_mem>>
        %dma_start3A = tpu.memref_slice %arg3[%mul3A_33] : memref<262144xi32, #tpu.memory_space<hbm>> -> memref<4096xi32, #tpu.memory_space<hbm>>
        %dma_start3A_40 = tpu.memref_slice %arg3[%mul3A_33] : memref<262144xi32, #tpu.memory_space<hbm>> -> memref<4096xi32, #tpu.memory_space<hbm>>
        tpu.enqueue_dma source(%dma_start3A_40 : memref<4096xi32, #tpu.memory_space<hbm>>) target(%arg7 : memref<4096xi32, #tpu.memory_space<vmem>>) target_semaphore(%run_scoped3A : memref<!tpu.dma_semaphore, #tpu.memory_space<semaphore_mem>>)
        %dma_wait3A = tpu.memref_slice %arg3[%mul3A_33] : memref<262144xi32, #tpu.memory_space<hbm>> -> memref<4096xi32, #tpu.memory_space<hbm>>
        %dma_wait3A_41 = tpu.memref_slice %arg3[%mul3A_33] : memref<262144xi32, #tpu.memory_space<hbm>> -> memref<4096xi32, #tpu.memory_space<hbm>>
        tpu.wait_dma2 semaphore(%run_scoped3A : memref<!tpu.dma_semaphore, #tpu.memory_space<semaphore_mem>>) src(%dma_wait3A_41 : memref<4096xi32, #tpu.memory_space<hbm>>) dst(%arg7 : memref<4096xi32, #tpu.memory_space<vmem>>)
        tpu.yield
      }) : () -> ()
      %scan3A_34 = arith.constant 0 : i32
      %scan3A_35 = arith.constant 0 : i32
      %scan3A_36 = arith.constant 64 : i32
      %scan3A_37 = arith.addi %scan3A_35, %scan3A_36 : i32
      %scan3A_38 = arith.constant 1 : i32
      scf.for %scan3A_40 = %scan3A_35 to %scan3A_37 step %scan3A_38  : i32 {
        %mul3A_41 = arith.constant 64 : i32
        %mul3A_42 = arith.muli %scan3A_40, %mul3A_41 : i32
        %add3A_43 = arith.constant 0 : i32
        %add3A_44 = arith.addi %mul3A_42, %add3A_43 : i32
        %get3A = arith.index_cast %add3A_44 : i32 to index
        %get3A_45 = tpu.vector_load %arg7[%get3A] {strides = array<i32>} : memref<4096xi32, #tpu.memory_space<vmem>>, vector<16xi32>,
        %add3A_46 = arith.addi %mul3A_33, %add3A_44 : i32
        %add3A_47 = vector.broadcast %add3A_46 : i32 to vector<16xi32>
        %add3A_48 = arith.addi %add3A_47, %iota3A : vector<16xi32>
        %ge3A = vector.broadcast %mul3A_2 : i32 to vector<16xi32>
        %ge3A_49 = arith.cmpi sge, %get3A_45, %ge3A : vector<16xi32>
        %add3A_50 = arith.constant 32768 : i32
        %add3A_51 = arith.addi %mul3A_2, %add3A_50 : i32
        %lt3A = vector.broadcast %add3A_51 : i32 to vector<16xi32>
        %lt3A_52 = arith.cmpi slt, %get3A_45, %lt3A : vector<16xi32>
        %and3A = arith.andi %ge3A_49, %lt3A_52 : vector<16xi1>
        %unique3A, %unique3A_53 = tpu.scan_count mask(%and3A : vector<16xi1>) value(%get3A_45 : vector<16xi32>) : vector<16xi1>, vector<16xi32>
        %sub3A = vector.broadcast %mul3A_2 : i32 to vector<16xi32>
        %sub3A_54 = arith.subi %get3A_45, %sub3A : vector<16xi32>
        tpu.vector_store_idx %arg6[%sub3A_54], %add3A_48 masked %unique3A : memref<32768xi32, #tpu.memory_space<vmem>>[vector<16xi32>], vector<16xi32>, vector<16xi1>
        %mul3A_55 = arith.constant 64 : i32
        %mul3A_56 = arith.muli %scan3A_40, %mul3A_55 : i32
        %add3A_57 = arith.constant 16 : i32
        %add3A_58 = arith.addi %mul3A_56, %add3A_57 : i32
        %get3A_59 = arith.index_cast %add3A_58 : i32 to index
        %get3A_60 = tpu.vector_load %arg7[%get3A_59] {strides = array<i32>} : memref<4096xi32, #tpu.memory_space<vmem>>, vector<16xi32>,
        %add3A_61 = arith.addi %mul3A_33, %add3A_58 : i32
        %add3A_62 = vector.broadcast %add3A_61 : i32 to vector<16xi32>
        %add3A_63 = arith.addi %add3A_62, %iota3A : vector<16xi32>
        %ge3A_64 = vector.broadcast %mul3A_2 : i32 to vector<16xi32>
        %ge3A_65 = arith.cmpi sge, %get3A_60, %ge3A_64 : vector<16xi32>
        %add3A_66 = arith.constant 32768 : i32
        %add3A_67 = arith.addi %mul3A_2, %add3A_66 : i32
        %lt3A_68 = vector.broadcast %add3A_67 : i32 to vector<16xi32>
        %lt3A_69 = arith.cmpi slt, %get3A_60, %lt3A_68 : vector<16xi32>
        %and3A_70 = arith.andi %ge3A_65, %lt3A_69 : vector<16xi1>
        %unique3A_71, %unique3A_72 = tpu.scan_count mask(%and3A_70 : vector<16xi1>) value(%get3A_60 : vector<16xi32>) : vector<16xi1>, vector<16xi32>
        %sub3A_73 = vector.broadcast %mul3A_2 : i32 to vector<16xi32>
        %sub3A_74 = arith.subi %get3A_60, %sub3A_73 : vector<16xi32>
        tpu.vector_store_idx %arg6[%sub3A_74], %add3A_63 masked %unique3A_71 : memref<32768xi32, #tpu.memory_space<vmem>>[vector<16xi32>], vector<16xi32>, vector<16xi1>
        %mul3A_75 = arith.constant 64 : i32
        %mul3A_76 = arith.muli %scan3A_40, %mul3A_75 : i32
        %add3A_77 = arith.constant 32 : i32
        %add3A_78 = arith.addi %mul3A_76, %add3A_77 : i32
        %get3A_79 = arith.index_cast %add3A_78 : i32 to index
        %get3A_80 = tpu.vector_load %arg7[%get3A_79] {strides = array<i32>} : memref<4096xi32, #tpu.memory_space<vmem>>, vector<16xi32>,
        %add3A_81 = arith.addi %mul3A_33, %add3A_78 : i32
        %add3A_82 = vector.broadcast %add3A_81 : i32 to vector<16xi32>
        %add3A_83 = arith.addi %add3A_82, %iota3A : vector<16xi32>
        %ge3A_84 = vector.broadcast %mul3A_2 : i32 to vector<16xi32>
        %ge3A_85 = arith.cmpi sge, %get3A_80, %ge3A_84 : vector<16xi32>
        %add3A_86 = arith.constant 32768 : i32
        %add3A_87 = arith.addi %mul3A_2, %add3A_86 : i32
        %lt3A_88 = vector.broadcast %add3A_87 : i32 to vector<16xi32>
        %lt3A_89 = arith.cmpi slt, %get3A_80, %lt3A_88 : vector<16xi32>
        %and3A_90 = arith.andi %ge3A_85, %lt3A_89 : vector<16xi1>
        %unique3A_91, %unique3A_92 = tpu.scan_count mask(%and3A_90 : vector<16xi1>) value(%get3A_80 : vector<16xi32>) : vector<16xi1>, vector<16xi32>
        %sub3A_93 = vector.broadcast %mul3A_2 : i32 to vector<16xi32>
        %sub3A_94 = arith.subi %get3A_80, %sub3A_93 : vector<16xi32>
        tpu.vector_store_idx %arg6[%sub3A_94], %add3A_83 masked %unique3A_91 : memref<32768xi32, #tpu.memory_space<vmem>>[vector<16xi32>], vector<16xi32>, vector<16xi1>
        %mul3A_95 = arith.constant 64 : i32
        %mul3A_96 = arith.muli %scan3A_40, %mul3A_95 : i32
        %add3A_97 = arith.constant 48 : i32
        %add3A_98 = arith.addi %mul3A_96, %add3A_97 : i32
        %get3A_99 = arith.index_cast %add3A_98 : i32 to index
        %get3A_100 = tpu.vector_load %arg7[%get3A_99] {strides = array<i32>} : memref<4096xi32, #tpu.memory_space<vmem>>, vector<16xi32>,
        %add3A_101 = arith.addi %mul3A_33, %add3A_98 : i32
        %add3A_102 = vector.broadcast %add3A_101 : i32 to vector<16xi32>
        %add3A_103 = arith.addi %add3A_102, %iota3A : vector<16xi32>
        %ge3A_104 = vector.broadcast %mul3A_2 : i32 to vector<16xi32>
        %ge3A_105 = arith.cmpi sge, %get3A_100, %ge3A_104 : vector<16xi32>
        %add3A_106 = arith.constant 32768 : i32
        %add3A_107 = arith.addi %mul3A_2, %add3A_106 : i32
        %lt3A_108 = vector.broadcast %add3A_107 : i32 to vector<16xi32>
        %lt3A_109 = arith.cmpi slt, %get3A_100, %lt3A_108 : vector<16xi32>
        %and3A_110 = arith.andi %ge3A_105, %lt3A_109 : vector<16xi1>
        %unique3A_111, %unique3A_112 = tpu.scan_count mask(%and3A_110 : vector<16xi1>) value(%get3A_100 : vector<16xi32>) : vector<16xi1>, vector<16xi32>
        %sub3A_113 = vector.broadcast %mul3A_2 : i32 to vector<16xi32>
        %sub3A_114 = arith.subi %get3A_100, %sub3A_113 : vector<16xi32>
        tpu.vector_store_idx %arg6[%sub3A_114], %add3A_103 masked %unique3A_111 : memref<32768xi32, #tpu.memory_space<vmem>>[vector<16xi32>], vector<16xi32>, vector<16xi1>
      }
      %scan3A_39 = arith.constant 64 : i32
    }
    %scan3A_14 = arith.constant 64 : i32
    %swap3A = arith.constant 0 : i32
    %swap3A_15 = arith.constant 0 : i32
    %swap3A_16 = arith.index_cast %swap3A_15 : i32 to index
    %swap3A_17 = memref.load %arg13[%swap3A_16] : memref<65xi32, #tpu.memory_space<smem>>
    memref.store %swap3A, %arg13[%swap3A_16] : memref<65xi32, #tpu.memory_space<smem>>
    %scan3A_18 = arith.constant 0 : i32
    %scan3A_19 = arith.constant 0 : i32
    %scan3A_20 = arith.constant 2048 : i32
    %scan3A_21 = arith.addi %scan3A_19, %scan3A_20 : i32
    %scan3A_22 = arith.constant 1 : i32
    %scan3A_23 = scf.for %scan3A_31 = %scan3A_19 to %scan3A_21 step %scan3A_22 iter_args(%scan3A_32 = %scan3A_18) -> (i32)  : i32 {
      %mul3A_33 = arith.constant 16 : i32
      %mul3A_34 = arith.muli %scan3A_31, %mul3A_33 : i32
      %get3A = arith.index_cast %mul3A_34 : i32 to index
      %get3A_35 = tpu.vector_load %arg6[%get3A] {strides = array<i32>} : memref<32768xi32, #tpu.memory_space<vmem>>, vector<16xi32>,
      %ge3A = arith.constant 0 : i32
      %ge3A_36 = vector.broadcast %ge3A : i32 to vector<16xi32>
      %ge3A_37 = arith.cmpi sge, %get3A_35, %ge3A_36 : vector<16xi32>
      %mul3A_38 = arith.constant 16 : i32
      %mul3A_39 = arith.muli %scan3A_31, %mul3A_38 : i32
      %add3A_40 = arith.addi %mul3A_2, %mul3A_39 : i32
      %add3A_41 = vector.broadcast %add3A_40 : i32 to vector<16xi32>
      %add3A_42 = arith.addi %add3A_41, %iota3A : vector<16xi32>
      %swap3A_43 = arith.index_cast %scan3A_32 : i32 to index
      %swap3A_44 = tpu.vector_load %arg8[%swap3A_43] masked %ge3A_37 {strides = array<i32>} : memref<32784xi32, #tpu.memory_space<vmem>>, vector<16xi32>, vector<16xi1>
      tpu.vector_store %arg8[%swap3A_43], %add3A_42 masked %ge3A_37 {strides = array<i32>} : memref<32784xi32, #tpu.memory_space<vmem>>, vector<16xi32>, vector<16xi1>
      %swap3A_45 = arith.index_cast %scan3A_32 : i32 to index
      %swap3A_46 = tpu.vector_load %arg9[%swap3A_45] masked %ge3A_37 {strides = array<i32>} : memref<32784xi32, #tpu.memory_space<vmem>>, vector<16xi32>, vector<16xi1>
      tpu.vector_store %arg9[%swap3A_45], %get3A_35 masked %ge3A_37 {strides = array<i32>} : memref<32784xi32, #tpu.memory_space<vmem>>, vector<16xi32>, vector<16xi1>
      %convert_element_type3A = arith.extui %ge3A_37 : vector<16xi1> to vector<16xi32>
      %reduce_sum3A = arith.constant true
      %reduce_sum3A_47 = vector.broadcast %reduce_sum3A : i1 to vector<16xi1>
      %reduce_sum3A_48 = tpu.scan <sum>, %convert_element_type3A masked %reduce_sum3A_47 : vector<16xi32>, vector<16xi1> -> vector<16xi32>
      %reduce_sum3A_49 = vector.extract %reduce_sum3A_48[15] : i32 from vector<16xi32>
      %add3A_50 = arith.addi %scan3A_32, %reduce_sum3A_49 : i32
      %add3A_51 = arith.constant 1 : i32
      %add3A_52 = arith.addi %scan3A_31, %add3A_51 : i32
      %jit3A = arith.constant 32 : i32
      %eq3A = arith.constant 0 : i32
      %eq3A_53 = arith.cmpi eq, %jit3A, %eq3A : i32
      %jit3A_54 = arith.constant 1 : i32
      %select_n3A = arith.select %eq3A_53, %jit3A_54, %jit3A : i32
      %rem3A = arith.remsi %add3A_52, %select_n3A : i32
      %ne3A = arith.constant 0 : i32
      %ne3A_55 = arith.cmpi ne, %rem3A, %ne3A : i32
      %lt3A = arith.constant 0 : i32
      %lt3A_56 = arith.cmpi slt, %rem3A, %lt3A : i32
      %lt3A_57 = arith.constant 0 : i32
      %lt3A_58 = arith.cmpi slt, %select_n3A, %lt3A_57 : i32
      %ne3A_59 = arith.xori %lt3A_56, %lt3A_58 : i1
      %and3A = arith.andi %ne3A_59, %ne3A_55 : i1
      %add3A_60 = arith.addi %rem3A, %select_n3A : i32
      %select_n3A_61 = arith.select %and3A, %add3A_60, %rem3A : i32
      %eq3A_62 = arith.constant 0 : i32
      %eq3A_63 = arith.cmpi eq, %select_n3A_61, %eq3A_62 : i32
      %convert_element_type3A_64 = arith.extui %eq3A_63 : i1 to i32
      %cond3A = arith.constant 0 : i32
      %cond3A_65 = arith.cmpi ne, %convert_element_type3A_64, %cond3A : i32
      scf.if %cond3A_65 {
        %add3A_66 = arith.constant 1 : i32
        %add3A_67 = arith.addi %scan3A_31, %add3A_66 : i32
        %jit3A_68 = arith.constant 32 : i32
        %div3A = arith.divsi %add3A_67, %jit3A_68 : i32
        %sign3A = arith.constant 0 : i32
        %sign3A_69 = arith.cmpi sgt, %add3A_67, %sign3A : i32
        %sign3A_70 = arith.extui %sign3A_69 : i1 to i32
        %sign3A_71 = arith.constant 0 : i32
        %sign3A_72 = arith.cmpi slt, %add3A_67, %sign3A_71 : i32
        %sign3A_73 = arith.extui %sign3A_72 : i1 to i32
        %sign3A_74 = arith.subi %sign3A_70, %sign3A_73 : i32
        %sign3A_75 = arith.constant 0 : i32
        %sign3A_76 = arith.cmpi sgt, %jit3A_68, %sign3A_75 : i32
        %sign3A_77 = arith.extui %sign3A_76 : i1 to i32
        %sign3A_78 = arith.constant 0 : i32
        %sign3A_79 = arith.cmpi slt, %jit3A_68, %sign3A_78 : i32
        %sign3A_80 = arith.extui %sign3A_79 : i1 to i32
        %sign3A_81 = arith.subi %sign3A_77, %sign3A_80 : i32
        %ne3A_82 = arith.cmpi ne, %sign3A_74, %sign3A_81 : i32
        %rem3A_83 = arith.remsi %add3A_67, %jit3A_68 : i32
        %ne3A_84 = arith.constant 0 : i32
        %ne3A_85 = arith.cmpi ne, %rem3A_83, %ne3A_84 : i32
        %and3A_86 = arith.andi %ne3A_82, %ne3A_85 : i1
        %sub3A = arith.constant 1 : i32
        %sub3A_87 = arith.subi %div3A, %sub3A : i32
        %select_n3A_88 = arith.select %and3A_86, %sub3A_87, %div3A : i32
        %swap3A_89 = arith.index_cast %select_n3A_88 : i32 to index
        %swap3A_90 = memref.load %arg13[%swap3A_89] : memref<65xi32, #tpu.memory_space<smem>>
        memref.store %add3A_50, %arg13[%swap3A_89] : memref<65xi32, #tpu.memory_space<smem>>
      } else {
      }
      scf.yield %add3A_50 : i32
    }
    %scan3A_24 = arith.constant 2048 : i32
    %scan3A_25 = arith.constant 0 : i32
    %scan3A_26 = arith.constant 0 : i32
    %scan3A_27 = arith.constant 64 : i32
    %scan3A_28 = arith.addi %scan3A_26, %scan3A_27 : i32
    %scan3A_29 = arith.constant 1 : i32
    scf.for %scan3A_31 = %scan3A_26 to %scan3A_28 step %scan3A_29  : i32 {
      %get3A = arith.index_cast %scan3A_31 : i32 to index
      %get3A_32 = memref.load %arg13[%get3A] : memref<65xi32, #tpu.memory_space<smem>>
      %add3A_33 = arith.constant 1 : i32
      %add3A_34 = arith.addi %scan3A_31, %add3A_33 : i32
      %get3A_35 = arith.index_cast %add3A_34 : i32 to index
      %get3A_36 = memref.load %arg13[%get3A_35] : memref<65xi32, #tpu.memory_space<smem>>
      %sub3A = arith.subi %get3A_36, %get3A_32 : i32
      %add3A_37 = arith.constant 15 : i32
      %add3A_38 = arith.addi %sub3A, %add3A_37 : i32
      %jit3A = arith.constant 16 : i32
      %div3A = arith.divsi %add3A_38, %jit3A : i32
      %sign3A = arith.constant 0 : i32
      %sign3A_39 = arith.cmpi sgt, %add3A_38, %sign3A : i32
      %sign3A_40 = arith.extui %sign3A_39 : i1 to i32
      %sign3A_41 = arith.constant 0 : i32
      %sign3A_42 = arith.cmpi slt, %add3A_38, %sign3A_41 : i32
      %sign3A_43 = arith.extui %sign3A_42 : i1 to i32
      %sign3A_44 = arith.subi %sign3A_40, %sign3A_43 : i32
      %sign3A_45 = arith.constant 0 : i32
      %sign3A_46 = arith.cmpi sgt, %jit3A, %sign3A_45 : i32
      %sign3A_47 = arith.extui %sign3A_46 : i1 to i32
      %sign3A_48 = arith.constant 0 : i32
      %sign3A_49 = arith.cmpi slt, %jit3A, %sign3A_48 : i32
      %sign3A_50 = arith.extui %sign3A_49 : i1 to i32
      %sign3A_51 = arith.subi %sign3A_47, %sign3A_50 : i32
      %ne3A = arith.cmpi ne, %sign3A_44, %sign3A_51 : i32
      %rem3A = arith.remsi %add3A_38, %jit3A : i32
      %ne3A_52 = arith.constant 0 : i32
      %ne3A_53 = arith.cmpi ne, %rem3A, %ne3A_52 : i32
      %and3A = arith.andi %ne3A, %ne3A_53 : i1
      %sub3A_54 = arith.constant 1 : i32
      %sub3A_55 = arith.subi %div3A, %sub3A_54 : i32
      %select_n3A = arith.select %and3A, %sub3A_55, %div3A : i32
      %jit3A_56 = arith.constant 128 : i32
      %div3A_57 = arith.divsi %mul3A_2, %jit3A_56 : i32
      %sign3A_58 = arith.constant 0 : i32
      %sign3A_59 = arith.cmpi sgt, %mul3A_2, %sign3A_58 : i32
      %sign3A_60 = arith.extui %sign3A_59 : i1 to i32
      %sign3A_61 = arith.constant 0 : i32
      %sign3A_62 = arith.cmpi slt, %mul3A_2, %sign3A_61 : i32
      %sign3A_63 = arith.extui %sign3A_62 : i1 to i32
      %sign3A_64 = arith.subi %sign3A_60, %sign3A_63 : i32
      %sign3A_65 = arith.constant 0 : i32
      %sign3A_66 = arith.cmpi sgt, %jit3A_56, %sign3A_65 : i32
      %sign3A_67 = arith.extui %sign3A_66 : i1 to i32
      %sign3A_68 = arith.constant 0 : i32
      %sign3A_69 = arith.cmpi slt, %jit3A_56, %sign3A_68 : i32
      %sign3A_70 = arith.extui %sign3A_69 : i1 to i32
      %sign3A_71 = arith.subi %sign3A_67, %sign3A_70 : i32
      %ne3A_72 = arith.cmpi ne, %sign3A_64, %sign3A_71 : i32
      %rem3A_73 = arith.remsi %mul3A_2, %jit3A_56 : i32
      %ne3A_74 = arith.constant 0 : i32
      %ne3A_75 = arith.cmpi ne, %rem3A_73, %ne3A_74 : i32
      %and3A_76 = arith.andi %ne3A_72, %ne3A_75 : i1
      %sub3A_77 = arith.constant 1 : i32
      %sub3A_78 = arith.subi %div3A_57, %sub3A_77 : i32
      %select_n3A_79 = arith.select %and3A_76, %sub3A_78, %div3A_57 : i32
      %mul3A_80 = arith.constant 4 : i32
      %mul3A_81 = arith.muli %scan3A_31, %mul3A_80 : i32
      %add3A_82 = arith.addi %select_n3A_79, %mul3A_81 : i32
      %mul3A_83 = arith.constant 1024 : i32
      %mul3A_84 = arith.muli %add3A_82, %mul3A_83 : i32
      %add3A_85 = arith.constant 8388608 : i32
      %add3A_86 = arith.addi %add3A_85, %mul3A_84 : i32
      %dma_start3A = arith.constant 0 : i32
      %dma_start3A_87 = tpu.memref_slice %arg10[%dma_start3A] : memref<8192xf32, #tpu.memory_space<vmem>> -> memref<4096xf32, #tpu.memory_space<vmem>>
      %dma_start3A_88 = tpu.memref_slice %arg2[%mul3A_84] : memref<16777216xf32, #tpu.memory_space<hbm>> -> memref<4096xf32, #tpu.memory_space<hbm>>
      %dma_start3A_89 = arith.constant 0 : i32
      %dma_start3A_90 = tpu.memref_slice %arg10[%dma_start3A_89] : memref<8192xf32, #tpu.memory_space<vmem>> -> memref<4096xf32, #tpu.memory_space<vmem>>
      %dma_start3A_91 = tpu.memref_slice %arg2[%mul3A_84] : memref<16777216xf32, #tpu.memory_space<hbm>> -> memref<4096xf32, #tpu.memory_space<hbm>>
      tpu.enqueue_dma source(%dma_start3A_91 : memref<4096xf32, #tpu.memory_space<hbm>>) target(%dma_start3A_90 : memref<4096xf32, #tpu.memory_space<vmem>>) target_semaphore(%arg14 : memref<!tpu.dma_semaphore, #tpu.memory_space<semaphore_mem>>)
      %dma_start3A_92 = arith.constant 4096 : i32
      %dma_start3A_93 = tpu.memref_slice %arg10[%dma_start3A_92] : memref<8192xf32, #tpu.memory_space<vmem>> -> memref<4096xf32, #tpu.memory_space<vmem>>
      %dma_start3A_94 = tpu.memref_slice %arg2[%add3A_86] : memref<16777216xf32, #tpu.memory_space<hbm>> -> memref<4096xf32, #tpu.memory_space<hbm>>
      %dma_start3A_95 = arith.constant 4096 : i32
      %dma_start3A_96 = tpu.memref_slice %arg10[%dma_start3A_95] : memref<8192xf32, #tpu.memory_space<vmem>> -> memref<4096xf32, #tpu.memory_space<vmem>>
      %dma_start3A_97 = tpu.memref_slice %arg2[%add3A_86] : memref<16777216xf32, #tpu.memory_space<hbm>> -> memref<4096xf32, #tpu.memory_space<hbm>>
      tpu.enqueue_dma source(%dma_start3A_97 : memref<4096xf32, #tpu.memory_space<hbm>>) target(%dma_start3A_96 : memref<4096xf32, #tpu.memory_space<vmem>>) target_semaphore(%arg14 : memref<!tpu.dma_semaphore, #tpu.memory_space<semaphore_mem>>)
      %dma_wait3A = arith.constant 0 : i32
      %dma_wait3A_98 = tpu.memref_slice %arg10[%dma_wait3A] : memref<8192xf32, #tpu.memory_space<vmem>> -> memref<4096xf32, #tpu.memory_space<vmem>>
      %dma_wait3A_99 = tpu.memref_slice %arg2[%mul3A_84] : memref<16777216xf32, #tpu.memory_space<hbm>> -> memref<4096xf32, #tpu.memory_space<hbm>>
      %dma_wait3A_100 = arith.constant 0 : i32
      %dma_wait3A_101 = tpu.memref_slice %arg10[%dma_wait3A_100] : memref<8192xf32, #tpu.memory_space<vmem>> -> memref<4096xf32, #tpu.memory_space<vmem>>
      %dma_wait3A_102 = tpu.memref_slice %arg2[%mul3A_84] : memref<16777216xf32, #tpu.memory_space<hbm>> -> memref<4096xf32, #tpu.memory_space<hbm>>
      tpu.wait_dma2 semaphore(%arg14 : memref<!tpu.dma_semaphore, #tpu.memory_space<semaphore_mem>>) src(%dma_wait3A_102 : memref<4096xf32, #tpu.memory_space<hbm>>) dst(%dma_wait3A_101 : memref<4096xf32, #tpu.memory_space<vmem>>)
      %dma_wait3A_103 = arith.constant 4096 : i32
      %dma_wait3A_104 = tpu.memref_slice %arg10[%dma_wait3A_103] : memref<8192xf32, #tpu.memory_space<vmem>> -> memref<4096xf32, #tpu.memory_space<vmem>>
      %dma_wait3A_105 = tpu.memref_slice %arg2[%add3A_86] : memref<16777216xf32, #tpu.memory_space<hbm>> -> memref<4096xf32, #tpu.memory_space<hbm>>
      %dma_wait3A_106 = arith.constant 4096 : i32
      %dma_wait3A_107 = tpu.memref_slice %arg10[%dma_wait3A_106] : memref<8192xf32, #tpu.memory_space<vmem>> -> memref<4096xf32, #tpu.memory_space<vmem>>
      %dma_wait3A_108 = tpu.memref_slice %arg2[%add3A_86] : memref<16777216xf32, #tpu.memory_space<hbm>> -> memref<4096xf32, #tpu.memory_space<hbm>>
      tpu.wait_dma2 semaphore(%arg14 : memref<!tpu.dma_semaphore, #tpu.memory_space<semaphore_mem>>) src(%dma_wait3A_108 : memref<4096xf32, #tpu.memory_space<hbm>>) dst(%dma_wait3A_107 : memref<4096xf32, #tpu.memory_space<vmem>>)
      %add3A_109 = arith.constant 31 : i32
      %add3A_110 = arith.addi %sub3A, %add3A_109 : i32
      %jit3A_111 = arith.constant 32 : i32
      %div3A_112 = arith.divsi %add3A_110, %jit3A_111 : i32
      %sign3A_113 = arith.constant 0 : i32
      %sign3A_114 = arith.cmpi sgt, %add3A_110, %sign3A_113 : i32
      %sign3A_115 = arith.extui %sign3A_114 : i1 to i32
      %sign3A_116 = arith.constant 0 : i32
      %sign3A_117 = arith.cmpi slt, %add3A_110, %sign3A_116 : i32
      %sign3A_118 = arith.extui %sign3A_117 : i1 to i32
      %sign3A_119 = arith.subi %sign3A_115, %sign3A_118 : i32
      %sign3A_120 = arith.constant 0 : i32
      %sign3A_121 = arith.cmpi sgt, %jit3A_111, %sign3A_120 : i32
      %sign3A_122 = arith.extui %sign3A_121 : i1 to i32
      %sign3A_123 = arith.constant 0 : i32
      %sign3A_124 = arith.cmpi slt, %jit3A_111, %sign3A_123 : i32
      %sign3A_125 = arith.extui %sign3A_124 : i1 to i32
      %sign3A_126 = arith.subi %sign3A_122, %sign3A_125 : i32
      %ne3A_127 = arith.cmpi ne, %sign3A_119, %sign3A_126 : i32
      %rem3A_128 = arith.remsi %add3A_110, %jit3A_111 : i32
      %ne3A_129 = arith.constant 0 : i32
      %ne3A_130 = arith.cmpi ne, %rem3A_128, %ne3A_129 : i32
      %and3A_131 = arith.andi %ne3A_127, %ne3A_130 : i1
      %sub3A_132 = arith.constant 1 : i32
      %sub3A_133 = arith.subi %div3A_112, %sub3A_132 : i32
      %select_n3A_134 = arith.select %and3A_131, %sub3A_133, %div3A_112 : i32
      %mul3A_135 = arith.constant 2 : i32
      %mul3A_136 = arith.muli %select_n3A_134, %mul3A_135 : i32
      %while3A = arith.constant 0 : i32
      %while3A_137 = arith.constant 0 : i32
      %while3A_138 = arith.subi %mul3A_136, %while3A_137 : i32
      %while3A_139 = arith.addi %while3A_137, %while3A_138 : i32
      %while3A_140 = arith.constant 1 : i32
      %while3A_141 = arith.divsi %while3A_138, %while3A_140 : i32
      %while3A_142 = arith.muli %while3A_141, %while3A_140 : i32
      %while3A_143 = arith.addi %while3A_137, %while3A_142 : i32
      %while3A_144 = arith.constant 1 : i32
      scf.for %while3A_339 = %while3A_137 to %while3A_143 step %while3A_144  : i32 {
        %mul3A_340 = arith.constant 16 : i32
        %mul3A_341 = arith.muli %while3A_339, %mul3A_340 : i32
        %add3A_342 = arith.addi %get3A_32, %mul3A_341 : i32
        %add3A_343 = vector.broadcast %add3A_342 : i32 to vector<16xi32>
        %add3A_344 = arith.addi %add3A_343, %iota3A : vector<16xi32>
        %lt3A = vector.broadcast %get3A_36 : i32 to vector<16xi32>
        %lt3A_345 = arith.cmpi slt, %add3A_344, %lt3A : vector<16xi32>
        %get3A_346 = arith.index_cast %add3A_342 : i32 to index
        %get3A_347 = tpu.vector_load %arg9[%get3A_346] {strides = array<i32>} : memref<32784xi32, #tpu.memory_space<vmem>>, vector<16xi32>,
        %jit3A_348 = arith.constant 0 : i32
        %broadcast_in_dim3A_349 = vector.broadcast %jit3A_348 : i32 to vector<16xi32>
        %select_n3A_350 = arith.select %lt3A_345, %get3A_347, %broadcast_in_dim3A_349 : vector<16xi1>, vector<16xi32>
        %shift_right_arithmetic3A = arith.constant 7 : i32
        %shift_right_arithmetic3A_351 = vector.broadcast %shift_right_arithmetic3A : i32 to vector<16xi32>
        %shift_right_arithmetic3A_352 = arith.shrsi %select_n3A_350, %shift_right_arithmetic3A_351 : vector<16xi32>
        %shift_left3A = arith.constant 10 : i32
        %shift_left3A_353 = vector.broadcast %shift_left3A : i32 to vector<16xi32>
        %shift_left3A_354 = arith.shli %shift_right_arithmetic3A_352, %shift_left3A_353 : vector<16xi32>
        %and3A_355 = arith.constant 127 : i32
        %and3A_356 = vector.broadcast %and3A_355 : i32 to vector<16xi32>
        %and3A_357 = arith.andi %select_n3A_350, %and3A_356 : vector<16xi32>
        %add3A_358 = arith.addi %shift_left3A_354, %and3A_357 : vector<16xi32>
        %mul3A_359 = arith.constant 256 : i32
        %mul3A_360 = arith.muli %while3A_339, %mul3A_359 : i32
        %mul3A_361 = arith.constant 16 : i32
        %mul3A_362 = vector.broadcast %mul3A_361 : i32 to vector<16xi32>
        %mul3A_363 = arith.muli %iota3A, %mul3A_362 : vector<16xi32>
        %add3A_364 = vector.broadcast %mul3A_360 : i32 to vector<16xi32>
        %add3A_365 = arith.addi %add3A_364, %mul3A_363 : vector<16xi32>
        %add3A_366 = arith.constant 0 : i32
        %add3A_367 = vector.broadcast %add3A_366 : i32 to vector<16xi32>
        %add3A_368 = arith.addi %add3A_365, %add3A_367 : vector<16xi32>
        %add3A_369 = arith.constant 0 : i32
        %add3A_370 = vector.broadcast %add3A_369 : i32 to vector<16xi32>
        %add3A_371 = arith.addi %add3A_358, %add3A_370 : vector<16xi32>
        tpu.vector_store_idx %arg12[%add3A_368], %add3A_371 : memref<8192xi32, #tpu.memory_space<vmem>>[vector<16xi32>], vector<16xi32>,
        %add3A_372 = arith.constant 1 : i32
        %add3A_373 = vector.broadcast %add3A_372 : i32 to vector<16xi32>
        %add3A_374 = arith.addi %add3A_365, %add3A_373 : vector<16xi32>
        %add3A_375 = arith.constant 128 : i32
        %add3A_376 = vector.broadcast %add3A_375 : i32 to vector<16xi32>
        %add3A_377 = arith.addi %add3A_358, %add3A_376 : vector<16xi32>
        tpu.vector_store_idx %arg12[%add3A_374], %add3A_377 : memref<8192xi32, #tpu.memory_space<vmem>>[vector<16xi32>], vector<16xi32>,
        %add3A_378 = arith.constant 2 : i32
        %add3A_379 = vector.broadcast %add3A_378 : i32 to vector<16xi32>
        %add3A_380 = arith.addi %add3A_365, %add3A_379 : vector<16xi32>
        %add3A_381 = arith.constant 256 : i32
        %add3A_382 = vector.broadcast %add3A_381 : i32 to vector<16xi32>
        %add3A_383 = arith.addi %add3A_358, %add3A_382 : vector<16xi32>
        tpu.vector_store_idx %arg12[%add3A_380], %add3A_383 : memref<8192xi32, #tpu.memory_space<vmem>>[vector<16xi32>], vector<16xi32>,
        %add3A_384 = arith.constant 3 : i32
        %add3A_385 = vector.broadcast %add3A_384 : i32 to vector<16xi32>
        %add3A_386 = arith.addi %add3A_365, %add3A_385 : vector<16xi32>
        %add3A_387 = arith.constant 384 : i32
        %add3A_388 = vector.broadcast %add3A_387 : i32 to vector<16xi32>
        %add3A_389 = arith.addi %add3A_358, %add3A_388 : vector<16xi32>
        tpu.vector_store_idx %arg12[%add3A_386], %add3A_389 : memref<8192xi32, #tpu.memory_space<vmem>>[vector<16xi32>], vector<16xi32>,
        %add3A_390 = arith.constant 4 : i32
        %add3A_391 = vector.broadcast %add3A_390 : i32 to vector<16xi32>
        %add3A_392 = arith.addi %add3A_365, %add3A_391 : vector<16xi32>
        %add3A_393 = arith.constant 512 : i32
        %add3A_394 = vector.broadcast %add3A_393 : i32 to vector<16xi32>
        %add3A_395 = arith.addi %add3A_358, %add3A_394 : vector<16xi32>
        tpu.vector_store_idx %arg12[%add3A_392], %add3A_395 : memref<8192xi32, #tpu.memory_space<vmem>>[vector<16xi32>], vector<16xi32>,
        %add3A_396 = arith.constant 5 : i32
        %add3A_397 = vector.broadcast %add3A_396 : i32 to vector<16xi32>
        %add3A_398 = arith.addi %add3A_365, %add3A_397 : vector<16xi32>
        %add3A_399 = arith.constant 640 : i32
        %add3A_400 = vector.broadcast %add3A_399 : i32 to vector<16xi32>
        %add3A_401 = arith.addi %add3A_358, %add3A_400 : vector<16xi32>
        tpu.vector_store_idx %arg12[%add3A_398], %add3A_401 : memref<8192xi32, #tpu.memory_space<vmem>>[vector<16xi32>], vector<16xi32>,
        %add3A_402 = arith.constant 6 : i32
        %add3A_403 = vector.broadcast %add3A_402 : i32 to vector<16xi32>
        %add3A_404 = arith.addi %add3A_365, %add3A_403 : vector<16xi32>
        %add3A_405 = arith.constant 768 : i32
        %add3A_406 = vector.broadcast %add3A_405 : i32 to vector<16xi32>
        %add3A_407 = arith.addi %add3A_358, %add3A_406 : vector<16xi32>
        tpu.vector_store_idx %arg12[%add3A_404], %add3A_407 : memref<8192xi32, #tpu.memory_space<vmem>>[vector<16xi32>], vector<16xi32>,
        %add3A_408 = arith.constant 7 : i32
        %add3A_409 = vector.broadcast %add3A_408 : i32 to vector<16xi32>
        %add3A_410 = arith.addi %add3A_365, %add3A_409 : vector<16xi32>
        %add3A_411 = arith.constant 896 : i32
        %add3A_412 = vector.broadcast %add3A_411 : i32 to vector<16xi32>
        %add3A_413 = arith.addi %add3A_358, %add3A_412 : vector<16xi32>
        tpu.vector_store_idx %arg12[%add3A_410], %add3A_413 : memref<8192xi32, #tpu.memory_space<vmem>>[vector<16xi32>], vector<16xi32>,
        %add3A_414 = arith.constant 8 : i32
        %add3A_415 = vector.broadcast %add3A_414 : i32 to vector<16xi32>
        %add3A_416 = arith.addi %add3A_365, %add3A_415 : vector<16xi32>
        %add3A_417 = arith.constant 2097152 : i32
        %add3A_418 = vector.broadcast %add3A_417 : i32 to vector<16xi32>
        %add3A_419 = arith.addi %add3A_358, %add3A_418 : vector<16xi32>
        tpu.vector_store_idx %arg12[%add3A_416], %add3A_419 : memref<8192xi32, #tpu.memory_space<vmem>>[vector<16xi32>], vector<16xi32>,
        %add3A_420 = arith.constant 9 : i32
        %add3A_421 = vector.broadcast %add3A_420 : i32 to vector<16xi32>
        %add3A_422 = arith.addi %add3A_365, %add3A_421 : vector<16xi32>
        %add3A_423 = arith.constant 2097280 : i32
        %add3A_424 = vector.broadcast %add3A_423 : i32 to vector<16xi32>
        %add3A_425 = arith.addi %add3A_358, %add3A_424 : vector<16xi32>
        tpu.vector_store_idx %arg12[%add3A_422], %add3A_425 : memref<8192xi32, #tpu.memory_space<vmem>>[vector<16xi32>], vector<16xi32>,
        %add3A_426 = arith.constant 10 : i32
        %add3A_427 = vector.broadcast %add3A_426 : i32 to vector<16xi32>
        %add3A_428 = arith.addi %add3A_365, %add3A_427 : vector<16xi32>
        %add3A_429 = arith.constant 2097408 : i32
        %add3A_430 = vector.broadcast %add3A_429 : i32 to vector<16xi32>
        %add3A_431 = arith.addi %add3A_358, %add3A_430 : vector<16xi32>
        tpu.vector_store_idx %arg12[%add3A_428], %add3A_431 : memref<8192xi32, #tpu.memory_space<vmem>>[vector<16xi32>], vector<16xi32>,
        %add3A_432 = arith.constant 11 : i32
        %add3A_433 = vector.broadcast %add3A_432 : i32 to vector<16xi32>
        %add3A_434 = arith.addi %add3A_365, %add3A_433 : vector<16xi32>
        %add3A_435 = arith.constant 2097536 : i32
        %add3A_436 = vector.broadcast %add3A_435 : i32 to vector<16xi32>
        %add3A_437 = arith.addi %add3A_358, %add3A_436 : vector<16xi32>
        tpu.vector_store_idx %arg12[%add3A_434], %add3A_437 : memref<8192xi32, #tpu.memory_space<vmem>>[vector<16xi32>], vector<16xi32>,
        %add3A_438 = arith.constant 12 : i32
        %add3A_439 = vector.broadcast %add3A_438 : i32 to vector<16xi32>
        %add3A_440 = arith.addi %add3A_365, %add3A_439 : vector<16xi32>
        %add3A_441 = arith.constant 2097664 : i32
        %add3A_442 = vector.broadcast %add3A_441 : i32 to vector<16xi32>
        %add3A_443 = arith.addi %add3A_358, %add3A_442 : vector<16xi32>
        tpu.vector_store_idx %arg12[%add3A_440], %add3A_443 : memref<8192xi32, #tpu.memory_space<vmem>>[vector<16xi32>], vector<16xi32>,
        %add3A_444 = arith.constant 13 : i32
        %add3A_445 = vector.broadcast %add3A_444 : i32 to vector<16xi32>
        %add3A_446 = arith.addi %add3A_365, %add3A_445 : vector<16xi32>
        %add3A_447 = arith.constant 2097792 : i32
        %add3A_448 = vector.broadcast %add3A_447 : i32 to vector<16xi32>
        %add3A_449 = arith.addi %add3A_358, %add3A_448 : vector<16xi32>
        tpu.vector_store_idx %arg12[%add3A_446], %add3A_449 : memref<8192xi32, #tpu.memory_space<vmem>>[vector<16xi32>], vector<16xi32>,
        %add3A_450 = arith.constant 14 : i32
        %add3A_451 = vector.broadcast %add3A_450 : i32 to vector<16xi32>
        %add3A_452 = arith.addi %add3A_365, %add3A_451 : vector<16xi32>
        %add3A_453 = arith.constant 2097920 : i32
        %add3A_454 = vector.broadcast %add3A_453 : i32 to vector<16xi32>
        %add3A_455 = arith.addi %add3A_358, %add3A_454 : vector<16xi32>
        tpu.vector_store_idx %arg12[%add3A_452], %add3A_455 : memref<8192xi32, #tpu.memory_space<vmem>>[vector<16xi32>], vector<16xi32>,
        %add3A_456 = arith.constant 15 : i32
        %add3A_457 = vector.broadcast %add3A_456 : i32 to vector<16xi32>
        %add3A_458 = arith.addi %add3A_365, %add3A_457 : vector<16xi32>
        %add3A_459 = arith.constant 2098048 : i32
        %add3A_460 = vector.broadcast %add3A_459 : i32 to vector<16xi32>
        %add3A_461 = arith.addi %add3A_358, %add3A_460 : vector<16xi32>
        tpu.vector_store_idx %arg12[%add3A_458], %add3A_461 : memref<8192xi32, #tpu.memory_space<vmem>>[vector<16xi32>], vector<16xi32>,
      }
      %while3A_145 = arith.constant 1 : i32
      scf.for %while3A_339 = %while3A_143 to %while3A_139 step %while3A_145  : i32 {
        %mul3A_340 = arith.constant 16 : i32
        %mul3A_341 = arith.muli %while3A_339, %mul3A_340 : i32
        %add3A_342 = arith.addi %get3A_32, %mul3A_341 : i32
        %add3A_343 = vector.broadcast %add3A_342 : i32 to vector<16xi32>
        %add3A_344 = arith.addi %add3A_343, %iota3A : vector<16xi32>
        %lt3A = vector.broadcast %get3A_36 : i32 to vector<16xi32>
        %lt3A_345 = arith.cmpi slt, %add3A_344, %lt3A : vector<16xi32>
        %get3A_346 = arith.index_cast %add3A_342 : i32 to index
        %get3A_347 = tpu.vector_load %arg9[%get3A_346] {strides = array<i32>} : memref<32784xi32, #tpu.memory_space<vmem>>, vector<16xi32>,
        %jit3A_348 = arith.constant 0 : i32
        %broadcast_in_dim3A_349 = vector.broadcast %jit3A_348 : i32 to vector<16xi32>
        %select_n3A_350 = arith.select %lt3A_345, %get3A_347, %broadcast_in_dim3A_349 : vector<16xi1>, vector<16xi32>
        %shift_right_arithmetic3A = arith.constant 7 : i32
        %shift_right_arithmetic3A_351 = vector.broadcast %shift_right_arithmetic3A : i32 to vector<16xi32>
        %shift_right_arithmetic3A_352 = arith.shrsi %select_n3A_350, %shift_right_arithmetic3A_351 : vector<16xi32>
        %shift_left3A = arith.constant 10 : i32
        %shift_left3A_353 = vector.broadcast %shift_left3A : i32 to vector<16xi32>
        %shift_left3A_354 = arith.shli %shift_right_arithmetic3A_352, %shift_left3A_353 : vector<16xi32>
        %and3A_355 = arith.constant 127 : i32
        %and3A_356 = vector.broadcast %and3A_355 : i32 to vector<16xi32>
        %and3A_357 = arith.andi %select_n3A_350, %and3A_356 : vector<16xi32>
        %add3A_358 = arith.addi %shift_left3A_354, %and3A_357 : vector<16xi32>
        %mul3A_359 = arith.constant 256 : i32
        %mul3A_360 = arith.muli %while3A_339, %mul3A_359 : i32
        %mul3A_361 = arith.constant 16 : i32
        %mul3A_362 = vector.broadcast %mul3A_361 : i32 to vector<16xi32>
        %mul3A_363 = arith.muli %iota3A, %mul3A_362 : vector<16xi32>
        %add3A_364 = vector.broadcast %mul3A_360 : i32 to vector<16xi32>
        %add3A_365 = arith.addi %add3A_364, %mul3A_363 : vector<16xi32>
        %add3A_366 = arith.constant 0 : i32
        %add3A_367 = vector.broadcast %add3A_366 : i32 to vector<16xi32>
        %add3A_368 = arith.addi %add3A_365, %add3A_367 : vector<16xi32>
        %add3A_369 = arith.constant 0 : i32
        %add3A_370 = vector.broadcast %add3A_369 : i32 to vector<16xi32>
        %add3A_371 = arith.addi %add3A_358, %add3A_370 : vector<16xi32>
        tpu.vector_store_idx %arg12[%add3A_368], %add3A_371 : memref<8192xi32, #tpu.memory_space<vmem>>[vector<16xi32>], vector<16xi32>,
        %add3A_372 = arith.constant 1 : i32
        %add3A_373 = vector.broadcast %add3A_372 : i32 to vector<16xi32>
        %add3A_374 = arith.addi %add3A_365, %add3A_373 : vector<16xi32>
        %add3A_375 = arith.constant 128 : i32
        %add3A_376 = vector.broadcast %add3A_375 : i32 to vector<16xi32>
        %add3A_377 = arith.addi %add3A_358, %add3A_376 : vector<16xi32>
        tpu.vector_store_idx %arg12[%add3A_374], %add3A_377 : memref<8192xi32, #tpu.memory_space<vmem>>[vector<16xi32>], vector<16xi32>,
        %add3A_378 = arith.constant 2 : i32
        %add3A_379 = vector.broadcast %add3A_378 : i32 to vector<16xi32>
        %add3A_380 = arith.addi %add3A_365, %add3A_379 : vector<16xi32>
        %add3A_381 = arith.constant 256 : i32
        %add3A_382 = vector.broadcast %add3A_381 : i32 to vector<16xi32>
        %add3A_383 = arith.addi %add3A_358, %add3A_382 : vector<16xi32>
        tpu.vector_store_idx %arg12[%add3A_380], %add3A_383 : memref<8192xi32, #tpu.memory_space<vmem>>[vector<16xi32>], vector<16xi32>,
        %add3A_384 = arith.constant 3 : i32
        %add3A_385 = vector.broadcast %add3A_384 : i32 to vector<16xi32>
        %add3A_386 = arith.addi %add3A_365, %add3A_385 : vector<16xi32>
        %add3A_387 = arith.constant 384 : i32
        %add3A_388 = vector.broadcast %add3A_387 : i32 to vector<16xi32>
        %add3A_389 = arith.addi %add3A_358, %add3A_388 : vector<16xi32>
        tpu.vector_store_idx %arg12[%add3A_386], %add3A_389 : memref<8192xi32, #tpu.memory_space<vmem>>[vector<16xi32>], vector<16xi32>,
        %add3A_390 = arith.constant 4 : i32
        %add3A_391 = vector.broadcast %add3A_390 : i32 to vector<16xi32>
        %add3A_392 = arith.addi %add3A_365, %add3A_391 : vector<16xi32>
        %add3A_393 = arith.constant 512 : i32
        %add3A_394 = vector.broadcast %add3A_393 : i32 to vector<16xi32>
        %add3A_395 = arith.addi %add3A_358, %add3A_394 : vector<16xi32>
        tpu.vector_store_idx %arg12[%add3A_392], %add3A_395 : memref<8192xi32, #tpu.memory_space<vmem>>[vector<16xi32>], vector<16xi32>,
        %add3A_396 = arith.constant 5 : i32
        %add3A_397 = vector.broadcast %add3A_396 : i32 to vector<16xi32>
        %add3A_398 = arith.addi %add3A_365, %add3A_397 : vector<16xi32>
        %add3A_399 = arith.constant 640 : i32
        %add3A_400 = vector.broadcast %add3A_399 : i32 to vector<16xi32>
        %add3A_401 = arith.addi %add3A_358, %add3A_400 : vector<16xi32>
        tpu.vector_store_idx %arg12[%add3A_398], %add3A_401 : memref<8192xi32, #tpu.memory_space<vmem>>[vector<16xi32>], vector<16xi32>,
        %add3A_402 = arith.constant 6 : i32
        %add3A_403 = vector.broadcast %add3A_402 : i32 to vector<16xi32>
        %add3A_404 = arith.addi %add3A_365, %add3A_403 : vector<16xi32>
        %add3A_405 = arith.constant 768 : i32
        %add3A_406 = vector.broadcast %add3A_405 : i32 to vector<16xi32>
        %add3A_407 = arith.addi %add3A_358, %add3A_406 : vector<16xi32>
        tpu.vector_store_idx %arg12[%add3A_404], %add3A_407 : memref<8192xi32, #tpu.memory_space<vmem>>[vector<16xi32>], vector<16xi32>,
        %add3A_408 = arith.constant 7 : i32
        %add3A_409 = vector.broadcast %add3A_408 : i32 to vector<16xi32>
        %add3A_410 = arith.addi %add3A_365, %add3A_409 : vector<16xi32>
        %add3A_411 = arith.constant 896 : i32
        %add3A_412 = vector.broadcast %add3A_411 : i32 to vector<16xi32>
        %add3A_413 = arith.addi %add3A_358, %add3A_412 : vector<16xi32>
        tpu.vector_store_idx %arg12[%add3A_410], %add3A_413 : memref<8192xi32, #tpu.memory_space<vmem>>[vector<16xi32>], vector<16xi32>,
        %add3A_414 = arith.constant 8 : i32
        %add3A_415 = vector.broadcast %add3A_414 : i32 to vector<16xi32>
        %add3A_416 = arith.addi %add3A_365, %add3A_415 : vector<16xi32>
        %add3A_417 = arith.constant 2097152 : i32
        %add3A_418 = vector.broadcast %add3A_417 : i32 to vector<16xi32>
        %add3A_419 = arith.addi %add3A_358, %add3A_418 : vector<16xi32>
        tpu.vector_store_idx %arg12[%add3A_416], %add3A_419 : memref<8192xi32, #tpu.memory_space<vmem>>[vector<16xi32>], vector<16xi32>,
        %add3A_420 = arith.constant 9 : i32
        %add3A_421 = vector.broadcast %add3A_420 : i32 to vector<16xi32>
        %add3A_422 = arith.addi %add3A_365, %add3A_421 : vector<16xi32>
        %add3A_423 = arith.constant 2097280 : i32
        %add3A_424 = vector.broadcast %add3A_423 : i32 to vector<16xi32>
        %add3A_425 = arith.addi %add3A_358, %add3A_424 : vector<16xi32>
        tpu.vector_store_idx %arg12[%add3A_422], %add3A_425 : memref<8192xi32, #tpu.memory_space<vmem>>[vector<16xi32>], vector<16xi32>,
        %add3A_426 = arith.constant 10 : i32
        %add3A_427 = vector.broadcast %add3A_426 : i32 to vector<16xi32>
        %add3A_428 = arith.addi %add3A_365, %add3A_427 : vector<16xi32>
        %add3A_429 = arith.constant 2097408 : i32
        %add3A_430 = vector.broadcast %add3A_429 : i32 to vector<16xi32>
        %add3A_431 = arith.addi %add3A_358, %add3A_430 : vector<16xi32>
        tpu.vector_store_idx %arg12[%add3A_428], %add3A_431 : memref<8192xi32, #tpu.memory_space<vmem>>[vector<16xi32>], vector<16xi32>,
        %add3A_432 = arith.constant 11 : i32
        %add3A_433 = vector.broadcast %add3A_432 : i32 to vector<16xi32>
        %add3A_434 = arith.addi %add3A_365, %add3A_433 : vector<16xi32>
        %add3A_435 = arith.constant 2097536 : i32
        %add3A_436 = vector.broadcast %add3A_435 : i32 to vector<16xi32>
        %add3A_437 = arith.addi %add3A_358, %add3A_436 : vector<16xi32>
        tpu.vector_store_idx %arg12[%add3A_434], %add3A_437 : memref<8192xi32, #tpu.memory_space<vmem>>[vector<16xi32>], vector<16xi32>,
        %add3A_438 = arith.constant 12 : i32
        %add3A_439 = vector.broadcast %add3A_438 : i32 to vector<16xi32>
        %add3A_440 = arith.addi %add3A_365, %add3A_439 : vector<16xi32>
        %add3A_441 = arith.constant 2097664 : i32
        %add3A_442 = vector.broadcast %add3A_441 : i32 to vector<16xi32>
        %add3A_443 = arith.addi %add3A_358, %add3A_442 : vector<16xi32>
        tpu.vector_store_idx %arg12[%add3A_440], %add3A_443 : memref<8192xi32, #tpu.memory_space<vmem>>[vector<16xi32>], vector<16xi32>,
        %add3A_444 = arith.constant 13 : i32
        %add3A_445 = vector.broadcast %add3A_444 : i32 to vector<16xi32>
        %add3A_446 = arith.addi %add3A_365, %add3A_445 : vector<16xi32>
        %add3A_447 = arith.constant 2097792 : i32
        %add3A_448 = vector.broadcast %add3A_447 : i32 to vector<16xi32>
        %add3A_449 = arith.addi %add3A_358, %add3A_448 : vector<16xi32>
        tpu.vector_store_idx %arg12[%add3A_446], %add3A_449 : memref<8192xi32, #tpu.memory_space<vmem>>[vector<16xi32>], vector<16xi32>,
        %add3A_450 = arith.constant 14 : i32
        %add3A_451 = vector.broadcast %add3A_450 : i32 to vector<16xi32>
        %add3A_452 = arith.addi %add3A_365, %add3A_451 : vector<16xi32>
        %add3A_453 = arith.constant 2097920 : i32
        %add3A_454 = vector.broadcast %add3A_453 : i32 to vector<16xi32>
        %add3A_455 = arith.addi %add3A_358, %add3A_454 : vector<16xi32>
        tpu.vector_store_idx %arg12[%add3A_452], %add3A_455 : memref<8192xi32, #tpu.memory_space<vmem>>[vector<16xi32>], vector<16xi32>,
        %add3A_456 = arith.constant 15 : i32
        %add3A_457 = vector.broadcast %add3A_456 : i32 to vector<16xi32>
        %add3A_458 = arith.addi %add3A_365, %add3A_457 : vector<16xi32>
        %add3A_459 = arith.constant 2098048 : i32
        %add3A_460 = vector.broadcast %add3A_459 : i32 to vector<16xi32>
        %add3A_461 = arith.addi %add3A_358, %add3A_460 : vector<16xi32>
        tpu.vector_store_idx %arg12[%add3A_458], %add3A_461 : memref<8192xi32, #tpu.memory_space<vmem>>[vector<16xi32>], vector<16xi32>,
      }
      %gt3A = arith.constant 0 : i32
      %gt3A_146 = arith.cmpi sgt, %sub3A, %gt3A : i32
      %convert_element_type3A = arith.extui %gt3A_146 : i1 to i32
      %cond3A = arith.constant 0 : i32
      %cond3A_147 = arith.cmpi ne, %convert_element_type3A, %cond3A : i32
      scf.if %cond3A_147 {
        %dma_start3A_339 = arith.constant 0 : i32
        %dma_start3A_340 = tpu.memref_slice %arg11[%dma_start3A_339] : memref<8192xf32, #tpu.memory_space<vmem>> -> memref<512xf32, #tpu.memory_space<vmem>>
        %dma_start3A_341 = arith.constant 0 : i32
        %dma_start3A_342 = tpu.memref_slice %arg12[%dma_start3A_341] : memref<8192xi32, #tpu.memory_space<vmem>> -> memref<512xi32, #tpu.memory_space<vmem>>
        %dma_start3A_343 = arith.constant 0 : i32
        %dma_start3A_344 = tpu.memref_slice %arg4[%dma_start3A_343] : memref<4194304xf32, #tpu.memory_space<hbm>> -> memref<4194304xf32, #tpu.memory_space<hbm>>
        tpu.enqueue_indirect_dma source(%dma_start3A_344 : memref<4194304xf32, #tpu.memory_space<hbm>>) target(%dma_start3A_340 : memref<512xf32, #tpu.memory_space<vmem>>) offsets(%dma_start3A_342 : memref<512xi32, #tpu.memory_space<vmem>>) semaphore(%arg14 : memref<!tpu.dma_semaphore, #tpu.memory_space<semaphore_mem>>)
      } else {
      }
      %gt3A_148 = arith.constant 32 : i32
      %gt3A_149 = arith.cmpi sgt, %sub3A, %gt3A_148 : i32
      %convert_element_type3A_150 = arith.extui %gt3A_149 : i1 to i32
      %cond3A_151 = arith.constant 0 : i32
      %cond3A_152 = arith.cmpi ne, %convert_element_type3A_150, %cond3A_151 : i32
      scf.if %cond3A_152 {
        %dma_start3A_339 = arith.constant 512 : i32
        %dma_start3A_340 = tpu.memref_slice %arg11[%dma_start3A_339] : memref<8192xf32, #tpu.memory_space<vmem>> -> memref<512xf32, #tpu.memory_space<vmem>>
        %dma_start3A_341 = arith.constant 512 : i32
        %dma_start3A_342 = tpu.memref_slice %arg12[%dma_start3A_341] : memref<8192xi32, #tpu.memory_space<vmem>> -> memref<512xi32, #tpu.memory_space<vmem>>
        %dma_start3A_343 = arith.constant 0 : i32
        %dma_start3A_344 = tpu.memref_slice %arg4[%dma_start3A_343] : memref<4194304xf32, #tpu.memory_space<hbm>> -> memref<4194304xf32, #tpu.memory_space<hbm>>
        tpu.enqueue_indirect_dma source(%dma_start3A_344 : memref<4194304xf32, #tpu.memory_space<hbm>>) target(%dma_start3A_340 : memref<512xf32, #tpu.memory_space<vmem>>) offsets(%dma_start3A_342 : memref<512xi32, #tpu.memory_space<vmem>>) semaphore(%arg14 : memref<!tpu.dma_semaphore, #tpu.memory_space<semaphore_mem>>)
      } else {
      }
      %gt3A_153 = arith.constant 64 : i32
      %gt3A_154 = arith.cmpi sgt, %sub3A, %gt3A_153 : i32
      %convert_element_type3A_155 = arith.extui %gt3A_154 : i1 to i32
      %cond3A_156 = arith.constant 0 : i32
      %cond3A_157 = arith.cmpi ne, %convert_element_type3A_155, %cond3A_156 : i32
      scf.if %cond3A_157 {
        %dma_start3A_339 = arith.constant 1024 : i32
        %dma_start3A_340 = tpu.memref_slice %arg11[%dma_start3A_339] : memref<8192xf32, #tpu.memory_space<vmem>> -> memref<512xf32, #tpu.memory_space<vmem>>
        %dma_start3A_341 = arith.constant 1024 : i32
        %dma_start3A_342 = tpu.memref_slice %arg12[%dma_start3A_341] : memref<8192xi32, #tpu.memory_space<vmem>> -> memref<512xi32, #tpu.memory_space<vmem>>
        %dma_start3A_343 = arith.constant 0 : i32
        %dma_start3A_344 = tpu.memref_slice %arg4[%dma_start3A_343] : memref<4194304xf32, #tpu.memory_space<hbm>> -> memref<4194304xf32, #tpu.memory_space<hbm>>
        tpu.enqueue_indirect_dma source(%dma_start3A_344 : memref<4194304xf32, #tpu.memory_space<hbm>>) target(%dma_start3A_340 : memref<512xf32, #tpu.memory_space<vmem>>) offsets(%dma_start3A_342 : memref<512xi32, #tpu.memory_space<vmem>>) semaphore(%arg14 : memref<!tpu.dma_semaphore, #tpu.memory_space<semaphore_mem>>)
      } else {
      }
      %gt3A_158 = arith.constant 96 : i32
      %gt3A_159 = arith.cmpi sgt, %sub3A, %gt3A_158 : i32
      %convert_element_type3A_160 = arith.extui %gt3A_159 : i1 to i32
      %cond3A_161 = arith.constant 0 : i32
      %cond3A_162 = arith.cmpi ne, %convert_element_type3A_160, %cond3A_161 : i32
      scf.if %cond3A_162 {
        %dma_start3A_339 = arith.constant 1536 : i32
        %dma_start3A_340 = tpu.memref_slice %arg11[%dma_start3A_339] : memref<8192xf32, #tpu.memory_space<vmem>> -> memref<512xf32, #tpu.memory_space<vmem>>
        %dma_start3A_341 = arith.constant 1536 : i32
        %dma_start3A_342 = tpu.memref_slice %arg12[%dma_start3A_341] : memref<8192xi32, #tpu.memory_space<vmem>> -> memref<512xi32, #tpu.memory_space<vmem>>
        %dma_start3A_343 = arith.constant 0 : i32
        %dma_start3A_344 = tpu.memref_slice %arg4[%dma_start3A_343] : memref<4194304xf32, #tpu.memory_space<hbm>> -> memref<4194304xf32, #tpu.memory_space<hbm>>
        tpu.enqueue_indirect_dma source(%dma_start3A_344 : memref<4194304xf32, #tpu.memory_space<hbm>>) target(%dma_start3A_340 : memref<512xf32, #tpu.memory_space<vmem>>) offsets(%dma_start3A_342 : memref<512xi32, #tpu.memory_space<vmem>>) semaphore(%arg14 : memref<!tpu.dma_semaphore, #tpu.memory_space<semaphore_mem>>)
      } else {
      }
      %gt3A_163 = arith.constant 128 : i32
      %gt3A_164 = arith.cmpi sgt, %sub3A, %gt3A_163 : i32
      %convert_element_type3A_165 = arith.extui %gt3A_164 : i1 to i32
      %cond3A_166 = arith.constant 0 : i32
      %cond3A_167 = arith.cmpi ne, %convert_element_type3A_165, %cond3A_166 : i32
      scf.if %cond3A_167 {
        %dma_start3A_339 = arith.constant 2048 : i32
        %dma_start3A_340 = tpu.memref_slice %arg11[%dma_start3A_339] : memref<8192xf32, #tpu.memory_space<vmem>> -> memref<512xf32, #tpu.memory_space<vmem>>
        %dma_start3A_341 = arith.constant 2048 : i32
        %dma_start3A_342 = tpu.memref_slice %arg12[%dma_start3A_341] : memref<8192xi32, #tpu.memory_space<vmem>> -> memref<512xi32, #tpu.memory_space<vmem>>
        %dma_start3A_343 = arith.constant 0 : i32
        %dma_start3A_344 = tpu.memref_slice %arg4[%dma_start3A_343] : memref<4194304xf32, #tpu.memory_space<hbm>> -> memref<4194304xf32, #tpu.memory_space<hbm>>
        tpu.enqueue_indirect_dma source(%dma_start3A_344 : memref<4194304xf32, #tpu.memory_space<hbm>>) target(%dma_start3A_340 : memref<512xf32, #tpu.memory_space<vmem>>) offsets(%dma_start3A_342 : memref<512xi32, #tpu.memory_space<vmem>>) semaphore(%arg14 : memref<!tpu.dma_semaphore, #tpu.memory_space<semaphore_mem>>)
      } else {
      }
      %gt3A_168 = arith.constant 160 : i32
      %gt3A_169 = arith.cmpi sgt, %sub3A, %gt3A_168 : i32
      %convert_element_type3A_170 = arith.extui %gt3A_169 : i1 to i32
      %cond3A_171 = arith.constant 0 : i32
      %cond3A_172 = arith.cmpi ne, %convert_element_type3A_170, %cond3A_171 : i32
      scf.if %cond3A_172 {
        %dma_start3A_339 = arith.constant 2560 : i32
        %dma_start3A_340 = tpu.memref_slice %arg11[%dma_start3A_339] : memref<8192xf32, #tpu.memory_space<vmem>> -> memref<512xf32, #tpu.memory_space<vmem>>
        %dma_start3A_341 = arith.constant 2560 : i32
        %dma_start3A_342 = tpu.memref_slice %arg12[%dma_start3A_341] : memref<8192xi32, #tpu.memory_space<vmem>> -> memref<512xi32, #tpu.memory_space<vmem>>
        %dma_start3A_343 = arith.constant 0 : i32
        %dma_start3A_344 = tpu.memref_slice %arg4[%dma_start3A_343] : memref<4194304xf32, #tpu.memory_space<hbm>> -> memref<4194304xf32, #tpu.memory_space<hbm>>
        tpu.enqueue_indirect_dma source(%dma_start3A_344 : memref<4194304xf32, #tpu.memory_space<hbm>>) target(%dma_start3A_340 : memref<512xf32, #tpu.memory_space<vmem>>) offsets(%dma_start3A_342 : memref<512xi32, #tpu.memory_space<vmem>>) semaphore(%arg14 : memref<!tpu.dma_semaphore, #tpu.memory_space<semaphore_mem>>)
      } else {
      }
      %gt3A_173 = arith.constant 192 : i32
      %gt3A_174 = arith.cmpi sgt, %sub3A, %gt3A_173 : i32
      %convert_element_type3A_175 = arith.extui %gt3A_174 : i1 to i32
      %cond3A_176 = arith.constant 0 : i32
      %cond3A_177 = arith.cmpi ne, %convert_element_type3A_175, %cond3A_176 : i32
      scf.if %cond3A_177 {
        %dma_start3A_339 = arith.constant 3072 : i32
        %dma_start3A_340 = tpu.memref_slice %arg11[%dma_start3A_339] : memref<8192xf32, #tpu.memory_space<vmem>> -> memref<512xf32, #tpu.memory_space<vmem>>
        %dma_start3A_341 = arith.constant 3072 : i32
        %dma_start3A_342 = tpu.memref_slice %arg12[%dma_start3A_341] : memref<8192xi32, #tpu.memory_space<vmem>> -> memref<512xi32, #tpu.memory_space<vmem>>
        %dma_start3A_343 = arith.constant 0 : i32
        %dma_start3A_344 = tpu.memref_slice %arg4[%dma_start3A_343] : memref<4194304xf32, #tpu.memory_space<hbm>> -> memref<4194304xf32, #tpu.memory_space<hbm>>
        tpu.enqueue_indirect_dma source(%dma_start3A_344 : memref<4194304xf32, #tpu.memory_space<hbm>>) target(%dma_start3A_340 : memref<512xf32, #tpu.memory_space<vmem>>) offsets(%dma_start3A_342 : memref<512xi32, #tpu.memory_space<vmem>>) semaphore(%arg14 : memref<!tpu.dma_semaphore, #tpu.memory_space<semaphore_mem>>)
      } else {
      }
      %gt3A_178 = arith.constant 224 : i32
      %gt3A_179 = arith.cmpi sgt, %sub3A, %gt3A_178 : i32
      %convert_element_type3A_180 = arith.extui %gt3A_179 : i1 to i32
      %cond3A_181 = arith.constant 0 : i32
      %cond3A_182 = arith.cmpi ne, %convert_element_type3A_180, %cond3A_181 : i32
      scf.if %cond3A_182 {
        %dma_start3A_339 = arith.constant 3584 : i32
        %dma_start3A_340 = tpu.memref_slice %arg11[%dma_start3A_339] : memref<8192xf32, #tpu.memory_space<vmem>> -> memref<512xf32, #tpu.memory_space<vmem>>
        %dma_start3A_341 = arith.constant 3584 : i32
        %dma_start3A_342 = tpu.memref_slice %arg12[%dma_start3A_341] : memref<8192xi32, #tpu.memory_space<vmem>> -> memref<512xi32, #tpu.memory_space<vmem>>
        %dma_start3A_343 = arith.constant 0 : i32
        %dma_start3A_344 = tpu.memref_slice %arg4[%dma_start3A_343] : memref<4194304xf32, #tpu.memory_space<hbm>> -> memref<4194304xf32, #tpu.memory_space<hbm>>
        tpu.enqueue_indirect_dma source(%dma_start3A_344 : memref<4194304xf32, #tpu.memory_space<hbm>>) target(%dma_start3A_340 : memref<512xf32, #tpu.memory_space<vmem>>) offsets(%dma_start3A_342 : memref<512xi32, #tpu.memory_space<vmem>>) semaphore(%arg14 : memref<!tpu.dma_semaphore, #tpu.memory_space<semaphore_mem>>)
      } else {
      }
      %gt3A_183 = arith.constant 256 : i32
      %gt3A_184 = arith.cmpi sgt, %sub3A, %gt3A_183 : i32
      %convert_element_type3A_185 = arith.extui %gt3A_184 : i1 to i32
      %cond3A_186 = arith.constant 0 : i32
      %cond3A_187 = arith.cmpi ne, %convert_element_type3A_185, %cond3A_186 : i32
      scf.if %cond3A_187 {
        %dma_start3A_339 = arith.constant 4096 : i32
        %dma_start3A_340 = tpu.memref_slice %arg11[%dma_start3A_339] : memref<8192xf32, #tpu.memory_space<vmem>> -> memref<512xf32, #tpu.memory_space<vmem>>
        %dma_start3A_341 = arith.constant 4096 : i32
        %dma_start3A_342 = tpu.memref_slice %arg12[%dma_start3A_341] : memref<8192xi32, #tpu.memory_space<vmem>> -> memref<512xi32, #tpu.memory_space<vmem>>
        %dma_start3A_343 = arith.constant 0 : i32
        %dma_start3A_344 = tpu.memref_slice %arg4[%dma_start3A_343] : memref<4194304xf32, #tpu.memory_space<hbm>> -> memref<4194304xf32, #tpu.memory_space<hbm>>
        tpu.enqueue_indirect_dma source(%dma_start3A_344 : memref<4194304xf32, #tpu.memory_space<hbm>>) target(%dma_start3A_340 : memref<512xf32, #tpu.memory_space<vmem>>) offsets(%dma_start3A_342 : memref<512xi32, #tpu.memory_space<vmem>>) semaphore(%arg14 : memref<!tpu.dma_semaphore, #tpu.memory_space<semaphore_mem>>)
      } else {
      }
      %gt3A_188 = arith.constant 288 : i32
      %gt3A_189 = arith.cmpi sgt, %sub3A, %gt3A_188 : i32
      %convert_element_type3A_190 = arith.extui %gt3A_189 : i1 to i32
      %cond3A_191 = arith.constant 0 : i32
      %cond3A_192 = arith.cmpi ne, %convert_element_type3A_190, %cond3A_191 : i32
      scf.if %cond3A_192 {
        %dma_start3A_339 = arith.constant 4608 : i32
        %dma_start3A_340 = tpu.memref_slice %arg11[%dma_start3A_339] : memref<8192xf32, #tpu.memory_space<vmem>> -> memref<512xf32, #tpu.memory_space<vmem>>
        %dma_start3A_341 = arith.constant 4608 : i32
        %dma_start3A_342 = tpu.memref_slice %arg12[%dma_start3A_341] : memref<8192xi32, #tpu.memory_space<vmem>> -> memref<512xi32, #tpu.memory_space<vmem>>
        %dma_start3A_343 = arith.constant 0 : i32
        %dma_start3A_344 = tpu.memref_slice %arg4[%dma_start3A_343] : memref<4194304xf32, #tpu.memory_space<hbm>> -> memref<4194304xf32, #tpu.memory_space<hbm>>
        tpu.enqueue_indirect_dma source(%dma_start3A_344 : memref<4194304xf32, #tpu.memory_space<hbm>>) target(%dma_start3A_340 : memref<512xf32, #tpu.memory_space<vmem>>) offsets(%dma_start3A_342 : memref<512xi32, #tpu.memory_space<vmem>>) semaphore(%arg14 : memref<!tpu.dma_semaphore, #tpu.memory_space<semaphore_mem>>)
      } else {
      }
      %gt3A_193 = arith.constant 320 : i32
      %gt3A_194 = arith.cmpi sgt, %sub3A, %gt3A_193 : i32
      %convert_element_type3A_195 = arith.extui %gt3A_194 : i1 to i32
      %cond3A_196 = arith.constant 0 : i32
      %cond3A_197 = arith.cmpi ne, %convert_element_type3A_195, %cond3A_196 : i32
      scf.if %cond3A_197 {
        %dma_start3A_339 = arith.constant 5120 : i32
        %dma_start3A_340 = tpu.memref_slice %arg11[%dma_start3A_339] : memref<8192xf32, #tpu.memory_space<vmem>> -> memref<512xf32, #tpu.memory_space<vmem>>
        %dma_start3A_341 = arith.constant 5120 : i32
        %dma_start3A_342 = tpu.memref_slice %arg12[%dma_start3A_341] : memref<8192xi32, #tpu.memory_space<vmem>> -> memref<512xi32, #tpu.memory_space<vmem>>
        %dma_start3A_343 = arith.constant 0 : i32
        %dma_start3A_344 = tpu.memref_slice %arg4[%dma_start3A_343] : memref<4194304xf32, #tpu.memory_space<hbm>> -> memref<4194304xf32, #tpu.memory_space<hbm>>
        tpu.enqueue_indirect_dma source(%dma_start3A_344 : memref<4194304xf32, #tpu.memory_space<hbm>>) target(%dma_start3A_340 : memref<512xf32, #tpu.memory_space<vmem>>) offsets(%dma_start3A_342 : memref<512xi32, #tpu.memory_space<vmem>>) semaphore(%arg14 : memref<!tpu.dma_semaphore, #tpu.memory_space<semaphore_mem>>)
      } else {
      }
      %gt3A_198 = arith.constant 352 : i32
      %gt3A_199 = arith.cmpi sgt, %sub3A, %gt3A_198 : i32
      %convert_element_type3A_200 = arith.extui %gt3A_199 : i1 to i32
      %cond3A_201 = arith.constant 0 : i32
      %cond3A_202 = arith.cmpi ne, %convert_element_type3A_200, %cond3A_201 : i32
      scf.if %cond3A_202 {
        %dma_start3A_339 = arith.constant 5632 : i32
        %dma_start3A_340 = tpu.memref_slice %arg11[%dma_start3A_339] : memref<8192xf32, #tpu.memory_space<vmem>> -> memref<512xf32, #tpu.memory_space<vmem>>
        %dma_start3A_341 = arith.constant 5632 : i32
        %dma_start3A_342 = tpu.memref_slice %arg12[%dma_start3A_341] : memref<8192xi32, #tpu.memory_space<vmem>> -> memref<512xi32, #tpu.memory_space<vmem>>
        %dma_start3A_343 = arith.constant 0 : i32
        %dma_start3A_344 = tpu.memref_slice %arg4[%dma_start3A_343] : memref<4194304xf32, #tpu.memory_space<hbm>> -> memref<4194304xf32, #tpu.memory_space<hbm>>
        tpu.enqueue_indirect_dma source(%dma_start3A_344 : memref<4194304xf32, #tpu.memory_space<hbm>>) target(%dma_start3A_340 : memref<512xf32, #tpu.memory_space<vmem>>) offsets(%dma_start3A_342 : memref<512xi32, #tpu.memory_space<vmem>>) semaphore(%arg14 : memref<!tpu.dma_semaphore, #tpu.memory_space<semaphore_mem>>)
      } else {
      }
      %gt3A_203 = arith.constant 384 : i32
      %gt3A_204 = arith.cmpi sgt, %sub3A, %gt3A_203 : i32
      %convert_element_type3A_205 = arith.extui %gt3A_204 : i1 to i32
      %cond3A_206 = arith.constant 0 : i32
      %cond3A_207 = arith.cmpi ne, %convert_element_type3A_205, %cond3A_206 : i32
      scf.if %cond3A_207 {
        %dma_start3A_339 = arith.constant 6144 : i32
        %dma_start3A_340 = tpu.memref_slice %arg11[%dma_start3A_339] : memref<8192xf32, #tpu.memory_space<vmem>> -> memref<512xf32, #tpu.memory_space<vmem>>
        %dma_start3A_341 = arith.constant 6144 : i32
        %dma_start3A_342 = tpu.memref_slice %arg12[%dma_start3A_341] : memref<8192xi32, #tpu.memory_space<vmem>> -> memref<512xi32, #tpu.memory_space<vmem>>
        %dma_start3A_343 = arith.constant 0 : i32
        %dma_start3A_344 = tpu.memref_slice %arg4[%dma_start3A_343] : memref<4194304xf32, #tpu.memory_space<hbm>> -> memref<4194304xf32, #tpu.memory_space<hbm>>
        tpu.enqueue_indirect_dma source(%dma_start3A_344 : memref<4194304xf32, #tpu.memory_space<hbm>>) target(%dma_start3A_340 : memref<512xf32, #tpu.memory_space<vmem>>) offsets(%dma_start3A_342 : memref<512xi32, #tpu.memory_space<vmem>>) semaphore(%arg14 : memref<!tpu.dma_semaphore, #tpu.memory_space<semaphore_mem>>)
      } else {
      }
      %gt3A_208 = arith.constant 416 : i32
      %gt3A_209 = arith.cmpi sgt, %sub3A, %gt3A_208 : i32
      %convert_element_type3A_210 = arith.extui %gt3A_209 : i1 to i32
      %cond3A_211 = arith.constant 0 : i32
      %cond3A_212 = arith.cmpi ne, %convert_element_type3A_210, %cond3A_211 : i32
      scf.if %cond3A_212 {
        %dma_start3A_339 = arith.constant 6656 : i32
        %dma_start3A_340 = tpu.memref_slice %arg11[%dma_start3A_339] : memref<8192xf32, #tpu.memory_space<vmem>> -> memref<512xf32, #tpu.memory_space<vmem>>
        %dma_start3A_341 = arith.constant 6656 : i32
        %dma_start3A_342 = tpu.memref_slice %arg12[%dma_start3A_341] : memref<8192xi32, #tpu.memory_space<vmem>> -> memref<512xi32, #tpu.memory_space<vmem>>
        %dma_start3A_343 = arith.constant 0 : i32
        %dma_start3A_344 = tpu.memref_slice %arg4[%dma_start3A_343] : memref<4194304xf32, #tpu.memory_space<hbm>> -> memref<4194304xf32, #tpu.memory_space<hbm>>
        tpu.enqueue_indirect_dma source(%dma_start3A_344 : memref<4194304xf32, #tpu.memory_space<hbm>>) target(%dma_start3A_340 : memref<512xf32, #tpu.memory_space<vmem>>) offsets(%dma_start3A_342 : memref<512xi32, #tpu.memory_space<vmem>>) semaphore(%arg14 : memref<!tpu.dma_semaphore, #tpu.memory_space<semaphore_mem>>)
      } else {
      }
      %gt3A_213 = arith.constant 448 : i32
      %gt3A_214 = arith.cmpi sgt, %sub3A, %gt3A_213 : i32
      %convert_element_type3A_215 = arith.extui %gt3A_214 : i1 to i32
      %cond3A_216 = arith.constant 0 : i32
      %cond3A_217 = arith.cmpi ne, %convert_element_type3A_215, %cond3A_216 : i32
      scf.if %cond3A_217 {
        %dma_start3A_339 = arith.constant 7168 : i32
        %dma_start3A_340 = tpu.memref_slice %arg11[%dma_start3A_339] : memref<8192xf32, #tpu.memory_space<vmem>> -> memref<512xf32, #tpu.memory_space<vmem>>
        %dma_start3A_341 = arith.constant 7168 : i32
        %dma_start3A_342 = tpu.memref_slice %arg12[%dma_start3A_341] : memref<8192xi32, #tpu.memory_space<vmem>> -> memref<512xi32, #tpu.memory_space<vmem>>
        %dma_start3A_343 = arith.constant 0 : i32
        %dma_start3A_344 = tpu.memref_slice %arg4[%dma_start3A_343] : memref<4194304xf32, #tpu.memory_space<hbm>> -> memref<4194304xf32, #tpu.memory_space<hbm>>
        tpu.enqueue_indirect_dma source(%dma_start3A_344 : memref<4194304xf32, #tpu.memory_space<hbm>>) target(%dma_start3A_340 : memref<512xf32, #tpu.memory_space<vmem>>) offsets(%dma_start3A_342 : memref<512xi32, #tpu.memory_space<vmem>>) semaphore(%arg14 : memref<!tpu.dma_semaphore, #tpu.memory_space<semaphore_mem>>)
      } else {
      }
      %gt3A_218 = arith.constant 480 : i32
      %gt3A_219 = arith.cmpi sgt, %sub3A, %gt3A_218 : i32
      %convert_element_type3A_220 = arith.extui %gt3A_219 : i1 to i32
      %cond3A_221 = arith.constant 0 : i32
      %cond3A_222 = arith.cmpi ne, %convert_element_type3A_220, %cond3A_221 : i32
      scf.if %cond3A_222 {
        %dma_start3A_339 = arith.constant 7680 : i32
        %dma_start3A_340 = tpu.memref_slice %arg11[%dma_start3A_339] : memref<8192xf32, #tpu.memory_space<vmem>> -> memref<512xf32, #tpu.memory_space<vmem>>
        %dma_start3A_341 = arith.constant 7680 : i32
        %dma_start3A_342 = tpu.memref_slice %arg12[%dma_start3A_341] : memref<8192xi32, #tpu.memory_space<vmem>> -> memref<512xi32, #tpu.memory_space<vmem>>
        %dma_start3A_343 = arith.constant 0 : i32
        %dma_start3A_344 = tpu.memref_slice %arg4[%dma_start3A_343] : memref<4194304xf32, #tpu.memory_space<hbm>> -> memref<4194304xf32, #tpu.memory_space<hbm>>
        tpu.enqueue_indirect_dma source(%dma_start3A_344 : memref<4194304xf32, #tpu.memory_space<hbm>>) target(%dma_start3A_340 : memref<512xf32, #tpu.memory_space<vmem>>) offsets(%dma_start3A_342 : memref<512xi32, #tpu.memory_space<vmem>>) semaphore(%arg14 : memref<!tpu.dma_semaphore, #tpu.memory_space<semaphore_mem>>)
      } else {
      }
      %gt3A_223 = arith.constant 0 : i32
      %gt3A_224 = arith.cmpi sgt, %sub3A, %gt3A_223 : i32
      %convert_element_type3A_225 = arith.extui %gt3A_224 : i1 to i32
      %cond3A_226 = arith.constant 0 : i32
      %cond3A_227 = arith.cmpi ne, %convert_element_type3A_225, %cond3A_226 : i32
      scf.if %cond3A_227 {
        %dma_wait3A_339 = arith.constant 0 : i32
        %dma_wait3A_340 = tpu.memref_slice %arg11[%dma_wait3A_339] : memref<8192xf32, #tpu.memory_space<vmem>> -> memref<512xf32, #tpu.memory_space<vmem>>
        %dma_wait3A_341 = arith.constant 0 : i32
        %dma_wait3A_342 = tpu.memref_slice %arg12[%dma_wait3A_341] : memref<8192xi32, #tpu.memory_space<vmem>> -> memref<512xi32, #tpu.memory_space<vmem>>
        %dma_wait3A_343 = arith.constant 0 : i32
        %dma_wait3A_344 = tpu.memref_slice %arg4[%dma_wait3A_343] : memref<4194304xf32, #tpu.memory_space<hbm>> -> memref<4194304xf32, #tpu.memory_space<hbm>>
        tpu.wait_indirect_dma semaphore(%arg14 : memref<!tpu.dma_semaphore, #tpu.memory_space<semaphore_mem>>) src(%dma_wait3A_344 : memref<4194304xf32, #tpu.memory_space<hbm>>) dst(%dma_wait3A_340 : memref<512xf32, #tpu.memory_space<vmem>>)
      } else {
      }
      %gt3A_228 = arith.constant 32 : i32
      %gt3A_229 = arith.cmpi sgt, %sub3A, %gt3A_228 : i32
      %convert_element_type3A_230 = arith.extui %gt3A_229 : i1 to i32
      %cond3A_231 = arith.constant 0 : i32
      %cond3A_232 = arith.cmpi ne, %convert_element_type3A_230, %cond3A_231 : i32
      scf.if %cond3A_232 {
        %dma_wait3A_339 = arith.constant 512 : i32
        %dma_wait3A_340 = tpu.memref_slice %arg11[%dma_wait3A_339] : memref<8192xf32, #tpu.memory_space<vmem>> -> memref<512xf32, #tpu.memory_space<vmem>>
        %dma_wait3A_341 = arith.constant 512 : i32
        %dma_wait3A_342 = tpu.memref_slice %arg12[%dma_wait3A_341] : memref<8192xi32, #tpu.memory_space<vmem>> -> memref<512xi32, #tpu.memory_space<vmem>>
        %dma_wait3A_343 = arith.constant 0 : i32
        %dma_wait3A_344 = tpu.memref_slice %arg4[%dma_wait3A_343] : memref<4194304xf32, #tpu.memory_space<hbm>> -> memref<4194304xf32, #tpu.memory_space<hbm>>
        tpu.wait_indirect_dma semaphore(%arg14 : memref<!tpu.dma_semaphore, #tpu.memory_space<semaphore_mem>>) src(%dma_wait3A_344 : memref<4194304xf32, #tpu.memory_space<hbm>>) dst(%dma_wait3A_340 : memref<512xf32, #tpu.memory_space<vmem>>)
      } else {
      }
      %gt3A_233 = arith.constant 64 : i32
      %gt3A_234 = arith.cmpi sgt, %sub3A, %gt3A_233 : i32
      %convert_element_type3A_235 = arith.extui %gt3A_234 : i1 to i32
      %cond3A_236 = arith.constant 0 : i32
      %cond3A_237 = arith.cmpi ne, %convert_element_type3A_235, %cond3A_236 : i32
      scf.if %cond3A_237 {
        %dma_wait3A_339 = arith.constant 1024 : i32
        %dma_wait3A_340 = tpu.memref_slice %arg11[%dma_wait3A_339] : memref<8192xf32, #tpu.memory_space<vmem>> -> memref<512xf32, #tpu.memory_space<vmem>>
        %dma_wait3A_341 = arith.constant 1024 : i32
        %dma_wait3A_342 = tpu.memref_slice %arg12[%dma_wait3A_341] : memref<8192xi32, #tpu.memory_space<vmem>> -> memref<512xi32, #tpu.memory_space<vmem>>
        %dma_wait3A_343 = arith.constant 0 : i32
        %dma_wait3A_344 = tpu.memref_slice %arg4[%dma_wait3A_343] : memref<4194304xf32, #tpu.memory_space<hbm>> -> memref<4194304xf32, #tpu.memory_space<hbm>>
        tpu.wait_indirect_dma semaphore(%arg14 : memref<!tpu.dma_semaphore, #tpu.memory_space<semaphore_mem>>) src(%dma_wait3A_344 : memref<4194304xf32, #tpu.memory_space<hbm>>) dst(%dma_wait3A_340 : memref<512xf32, #tpu.memory_space<vmem>>)
      } else {
      }
      %gt3A_238 = arith.constant 96 : i32
      %gt3A_239 = arith.cmpi sgt, %sub3A, %gt3A_238 : i32
      %convert_element_type3A_240 = arith.extui %gt3A_239 : i1 to i32
      %cond3A_241 = arith.constant 0 : i32
      %cond3A_242 = arith.cmpi ne, %convert_element_type3A_240, %cond3A_241 : i32
      scf.if %cond3A_242 {
        %dma_wait3A_339 = arith.constant 1536 : i32
        %dma_wait3A_340 = tpu.memref_slice %arg11[%dma_wait3A_339] : memref<8192xf32, #tpu.memory_space<vmem>> -> memref<512xf32, #tpu.memory_space<vmem>>
        %dma_wait3A_341 = arith.constant 1536 : i32
        %dma_wait3A_342 = tpu.memref_slice %arg12[%dma_wait3A_341] : memref<8192xi32, #tpu.memory_space<vmem>> -> memref<512xi32, #tpu.memory_space<vmem>>
        %dma_wait3A_343 = arith.constant 0 : i32
        %dma_wait3A_344 = tpu.memref_slice %arg4[%dma_wait3A_343] : memref<4194304xf32, #tpu.memory_space<hbm>> -> memref<4194304xf32, #tpu.memory_space<hbm>>
        tpu.wait_indirect_dma semaphore(%arg14 : memref<!tpu.dma_semaphore, #tpu.memory_space<semaphore_mem>>) src(%dma_wait3A_344 : memref<4194304xf32, #tpu.memory_space<hbm>>) dst(%dma_wait3A_340 : memref<512xf32, #tpu.memory_space<vmem>>)
      } else {
      }
      %gt3A_243 = arith.constant 128 : i32
      %gt3A_244 = arith.cmpi sgt, %sub3A, %gt3A_243 : i32
      %convert_element_type3A_245 = arith.extui %gt3A_244 : i1 to i32
      %cond3A_246 = arith.constant 0 : i32
      %cond3A_247 = arith.cmpi ne, %convert_element_type3A_245, %cond3A_246 : i32
      scf.if %cond3A_247 {
        %dma_wait3A_339 = arith.constant 2048 : i32
        %dma_wait3A_340 = tpu.memref_slice %arg11[%dma_wait3A_339] : memref<8192xf32, #tpu.memory_space<vmem>> -> memref<512xf32, #tpu.memory_space<vmem>>
        %dma_wait3A_341 = arith.constant 2048 : i32
        %dma_wait3A_342 = tpu.memref_slice %arg12[%dma_wait3A_341] : memref<8192xi32, #tpu.memory_space<vmem>> -> memref<512xi32, #tpu.memory_space<vmem>>
        %dma_wait3A_343 = arith.constant 0 : i32
        %dma_wait3A_344 = tpu.memref_slice %arg4[%dma_wait3A_343] : memref<4194304xf32, #tpu.memory_space<hbm>> -> memref<4194304xf32, #tpu.memory_space<hbm>>
        tpu.wait_indirect_dma semaphore(%arg14 : memref<!tpu.dma_semaphore, #tpu.memory_space<semaphore_mem>>) src(%dma_wait3A_344 : memref<4194304xf32, #tpu.memory_space<hbm>>) dst(%dma_wait3A_340 : memref<512xf32, #tpu.memory_space<vmem>>)
      } else {
      }
      %gt3A_248 = arith.constant 160 : i32
      %gt3A_249 = arith.cmpi sgt, %sub3A, %gt3A_248 : i32
      %convert_element_type3A_250 = arith.extui %gt3A_249 : i1 to i32
      %cond3A_251 = arith.constant 0 : i32
      %cond3A_252 = arith.cmpi ne, %convert_element_type3A_250, %cond3A_251 : i32
      scf.if %cond3A_252 {
        %dma_wait3A_339 = arith.constant 2560 : i32
        %dma_wait3A_340 = tpu.memref_slice %arg11[%dma_wait3A_339] : memref<8192xf32, #tpu.memory_space<vmem>> -> memref<512xf32, #tpu.memory_space<vmem>>
        %dma_wait3A_341 = arith.constant 2560 : i32
        %dma_wait3A_342 = tpu.memref_slice %arg12[%dma_wait3A_341] : memref<8192xi32, #tpu.memory_space<vmem>> -> memref<512xi32, #tpu.memory_space<vmem>>
        %dma_wait3A_343 = arith.constant 0 : i32
        %dma_wait3A_344 = tpu.memref_slice %arg4[%dma_wait3A_343] : memref<4194304xf32, #tpu.memory_space<hbm>> -> memref<4194304xf32, #tpu.memory_space<hbm>>
        tpu.wait_indirect_dma semaphore(%arg14 : memref<!tpu.dma_semaphore, #tpu.memory_space<semaphore_mem>>) src(%dma_wait3A_344 : memref<4194304xf32, #tpu.memory_space<hbm>>) dst(%dma_wait3A_340 : memref<512xf32, #tpu.memory_space<vmem>>)
      } else {
      }
      %gt3A_253 = arith.constant 192 : i32
      %gt3A_254 = arith.cmpi sgt, %sub3A, %gt3A_253 : i32
      %convert_element_type3A_255 = arith.extui %gt3A_254 : i1 to i32
      %cond3A_256 = arith.constant 0 : i32
      %cond3A_257 = arith.cmpi ne, %convert_element_type3A_255, %cond3A_256 : i32
      scf.if %cond3A_257 {
        %dma_wait3A_339 = arith.constant 3072 : i32
        %dma_wait3A_340 = tpu.memref_slice %arg11[%dma_wait3A_339] : memref<8192xf32, #tpu.memory_space<vmem>> -> memref<512xf32, #tpu.memory_space<vmem>>
        %dma_wait3A_341 = arith.constant 3072 : i32
        %dma_wait3A_342 = tpu.memref_slice %arg12[%dma_wait3A_341] : memref<8192xi32, #tpu.memory_space<vmem>> -> memref<512xi32, #tpu.memory_space<vmem>>
        %dma_wait3A_343 = arith.constant 0 : i32
        %dma_wait3A_344 = tpu.memref_slice %arg4[%dma_wait3A_343] : memref<4194304xf32, #tpu.memory_space<hbm>> -> memref<4194304xf32, #tpu.memory_space<hbm>>
        tpu.wait_indirect_dma semaphore(%arg14 : memref<!tpu.dma_semaphore, #tpu.memory_space<semaphore_mem>>) src(%dma_wait3A_344 : memref<4194304xf32, #tpu.memory_space<hbm>>) dst(%dma_wait3A_340 : memref<512xf32, #tpu.memory_space<vmem>>)
      } else {
      }
      %gt3A_258 = arith.constant 224 : i32
      %gt3A_259 = arith.cmpi sgt, %sub3A, %gt3A_258 : i32
      %convert_element_type3A_260 = arith.extui %gt3A_259 : i1 to i32
      %cond3A_261 = arith.constant 0 : i32
      %cond3A_262 = arith.cmpi ne, %convert_element_type3A_260, %cond3A_261 : i32
      scf.if %cond3A_262 {
        %dma_wait3A_339 = arith.constant 3584 : i32
        %dma_wait3A_340 = tpu.memref_slice %arg11[%dma_wait3A_339] : memref<8192xf32, #tpu.memory_space<vmem>> -> memref<512xf32, #tpu.memory_space<vmem>>
        %dma_wait3A_341 = arith.constant 3584 : i32
        %dma_wait3A_342 = tpu.memref_slice %arg12[%dma_wait3A_341] : memref<8192xi32, #tpu.memory_space<vmem>> -> memref<512xi32, #tpu.memory_space<vmem>>
        %dma_wait3A_343 = arith.constant 0 : i32
        %dma_wait3A_344 = tpu.memref_slice %arg4[%dma_wait3A_343] : memref<4194304xf32, #tpu.memory_space<hbm>> -> memref<4194304xf32, #tpu.memory_space<hbm>>
        tpu.wait_indirect_dma semaphore(%arg14 : memref<!tpu.dma_semaphore, #tpu.memory_space<semaphore_mem>>) src(%dma_wait3A_344 : memref<4194304xf32, #tpu.memory_space<hbm>>) dst(%dma_wait3A_340 : memref<512xf32, #tpu.memory_space<vmem>>)
      } else {
      }
      %gt3A_263 = arith.constant 256 : i32
      %gt3A_264 = arith.cmpi sgt, %sub3A, %gt3A_263 : i32
      %convert_element_type3A_265 = arith.extui %gt3A_264 : i1 to i32
      %cond3A_266 = arith.constant 0 : i32
      %cond3A_267 = arith.cmpi ne, %convert_element_type3A_265, %cond3A_266 : i32
      scf.if %cond3A_267 {
        %dma_wait3A_339 = arith.constant 4096 : i32
        %dma_wait3A_340 = tpu.memref_slice %arg11[%dma_wait3A_339] : memref<8192xf32, #tpu.memory_space<vmem>> -> memref<512xf32, #tpu.memory_space<vmem>>
        %dma_wait3A_341 = arith.constant 4096 : i32
        %dma_wait3A_342 = tpu.memref_slice %arg12[%dma_wait3A_341] : memref<8192xi32, #tpu.memory_space<vmem>> -> memref<512xi32, #tpu.memory_space<vmem>>
        %dma_wait3A_343 = arith.constant 0 : i32
        %dma_wait3A_344 = tpu.memref_slice %arg4[%dma_wait3A_343] : memref<4194304xf32, #tpu.memory_space<hbm>> -> memref<4194304xf32, #tpu.memory_space<hbm>>
        tpu.wait_indirect_dma semaphore(%arg14 : memref<!tpu.dma_semaphore, #tpu.memory_space<semaphore_mem>>) src(%dma_wait3A_344 : memref<4194304xf32, #tpu.memory_space<hbm>>) dst(%dma_wait3A_340 : memref<512xf32, #tpu.memory_space<vmem>>)
      } else {
      }
      %gt3A_268 = arith.constant 288 : i32
      %gt3A_269 = arith.cmpi sgt, %sub3A, %gt3A_268 : i32
      %convert_element_type3A_270 = arith.extui %gt3A_269 : i1 to i32
      %cond3A_271 = arith.constant 0 : i32
      %cond3A_272 = arith.cmpi ne, %convert_element_type3A_270, %cond3A_271 : i32
      scf.if %cond3A_272 {
        %dma_wait3A_339 = arith.constant 4608 : i32
        %dma_wait3A_340 = tpu.memref_slice %arg11[%dma_wait3A_339] : memref<8192xf32, #tpu.memory_space<vmem>> -> memref<512xf32, #tpu.memory_space<vmem>>
        %dma_wait3A_341 = arith.constant 4608 : i32
        %dma_wait3A_342 = tpu.memref_slice %arg12[%dma_wait3A_341] : memref<8192xi32, #tpu.memory_space<vmem>> -> memref<512xi32, #tpu.memory_space<vmem>>
        %dma_wait3A_343 = arith.constant 0 : i32
        %dma_wait3A_344 = tpu.memref_slice %arg4[%dma_wait3A_343] : memref<4194304xf32, #tpu.memory_space<hbm>> -> memref<4194304xf32, #tpu.memory_space<hbm>>
        tpu.wait_indirect_dma semaphore(%arg14 : memref<!tpu.dma_semaphore, #tpu.memory_space<semaphore_mem>>) src(%dma_wait3A_344 : memref<4194304xf32, #tpu.memory_space<hbm>>) dst(%dma_wait3A_340 : memref<512xf32, #tpu.memory_space<vmem>>)
      } else {
      }
      %gt3A_273 = arith.constant 320 : i32
      %gt3A_274 = arith.cmpi sgt, %sub3A, %gt3A_273 : i32
      %convert_element_type3A_275 = arith.extui %gt3A_274 : i1 to i32
      %cond3A_276 = arith.constant 0 : i32
      %cond3A_277 = arith.cmpi ne, %convert_element_type3A_275, %cond3A_276 : i32
      scf.if %cond3A_277 {
        %dma_wait3A_339 = arith.constant 5120 : i32
        %dma_wait3A_340 = tpu.memref_slice %arg11[%dma_wait3A_339] : memref<8192xf32, #tpu.memory_space<vmem>> -> memref<512xf32, #tpu.memory_space<vmem>>
        %dma_wait3A_341 = arith.constant 5120 : i32
        %dma_wait3A_342 = tpu.memref_slice %arg12[%dma_wait3A_341] : memref<8192xi32, #tpu.memory_space<vmem>> -> memref<512xi32, #tpu.memory_space<vmem>>
        %dma_wait3A_343 = arith.constant 0 : i32
        %dma_wait3A_344 = tpu.memref_slice %arg4[%dma_wait3A_343] : memref<4194304xf32, #tpu.memory_space<hbm>> -> memref<4194304xf32, #tpu.memory_space<hbm>>
        tpu.wait_indirect_dma semaphore(%arg14 : memref<!tpu.dma_semaphore, #tpu.memory_space<semaphore_mem>>) src(%dma_wait3A_344 : memref<4194304xf32, #tpu.memory_space<hbm>>) dst(%dma_wait3A_340 : memref<512xf32, #tpu.memory_space<vmem>>)
      } else {
      }
      %gt3A_278 = arith.constant 352 : i32
      %gt3A_279 = arith.cmpi sgt, %sub3A, %gt3A_278 : i32
      %convert_element_type3A_280 = arith.extui %gt3A_279 : i1 to i32
      %cond3A_281 = arith.constant 0 : i32
      %cond3A_282 = arith.cmpi ne, %convert_element_type3A_280, %cond3A_281 : i32
      scf.if %cond3A_282 {
        %dma_wait3A_339 = arith.constant 5632 : i32
        %dma_wait3A_340 = tpu.memref_slice %arg11[%dma_wait3A_339] : memref<8192xf32, #tpu.memory_space<vmem>> -> memref<512xf32, #tpu.memory_space<vmem>>
        %dma_wait3A_341 = arith.constant 5632 : i32
        %dma_wait3A_342 = tpu.memref_slice %arg12[%dma_wait3A_341] : memref<8192xi32, #tpu.memory_space<vmem>> -> memref<512xi32, #tpu.memory_space<vmem>>
        %dma_wait3A_343 = arith.constant 0 : i32
        %dma_wait3A_344 = tpu.memref_slice %arg4[%dma_wait3A_343] : memref<4194304xf32, #tpu.memory_space<hbm>> -> memref<4194304xf32, #tpu.memory_space<hbm>>
        tpu.wait_indirect_dma semaphore(%arg14 : memref<!tpu.dma_semaphore, #tpu.memory_space<semaphore_mem>>) src(%dma_wait3A_344 : memref<4194304xf32, #tpu.memory_space<hbm>>) dst(%dma_wait3A_340 : memref<512xf32, #tpu.memory_space<vmem>>)
      } else {
      }
      %gt3A_283 = arith.constant 384 : i32
      %gt3A_284 = arith.cmpi sgt, %sub3A, %gt3A_283 : i32
      %convert_element_type3A_285 = arith.extui %gt3A_284 : i1 to i32
      %cond3A_286 = arith.constant 0 : i32
      %cond3A_287 = arith.cmpi ne, %convert_element_type3A_285, %cond3A_286 : i32
      scf.if %cond3A_287 {
        %dma_wait3A_339 = arith.constant 6144 : i32
        %dma_wait3A_340 = tpu.memref_slice %arg11[%dma_wait3A_339] : memref<8192xf32, #tpu.memory_space<vmem>> -> memref<512xf32, #tpu.memory_space<vmem>>
        %dma_wait3A_341 = arith.constant 6144 : i32
        %dma_wait3A_342 = tpu.memref_slice %arg12[%dma_wait3A_341] : memref<8192xi32, #tpu.memory_space<vmem>> -> memref<512xi32, #tpu.memory_space<vmem>>
        %dma_wait3A_343 = arith.constant 0 : i32
        %dma_wait3A_344 = tpu.memref_slice %arg4[%dma_wait3A_343] : memref<4194304xf32, #tpu.memory_space<hbm>> -> memref<4194304xf32, #tpu.memory_space<hbm>>
        tpu.wait_indirect_dma semaphore(%arg14 : memref<!tpu.dma_semaphore, #tpu.memory_space<semaphore_mem>>) src(%dma_wait3A_344 : memref<4194304xf32, #tpu.memory_space<hbm>>) dst(%dma_wait3A_340 : memref<512xf32, #tpu.memory_space<vmem>>)
      } else {
      }
      %gt3A_288 = arith.constant 416 : i32
      %gt3A_289 = arith.cmpi sgt, %sub3A, %gt3A_288 : i32
      %convert_element_type3A_290 = arith.extui %gt3A_289 : i1 to i32
      %cond3A_291 = arith.constant 0 : i32
      %cond3A_292 = arith.cmpi ne, %convert_element_type3A_290, %cond3A_291 : i32
      scf.if %cond3A_292 {
        %dma_wait3A_339 = arith.constant 6656 : i32
        %dma_wait3A_340 = tpu.memref_slice %arg11[%dma_wait3A_339] : memref<8192xf32, #tpu.memory_space<vmem>> -> memref<512xf32, #tpu.memory_space<vmem>>
        %dma_wait3A_341 = arith.constant 6656 : i32
        %dma_wait3A_342 = tpu.memref_slice %arg12[%dma_wait3A_341] : memref<8192xi32, #tpu.memory_space<vmem>> -> memref<512xi32, #tpu.memory_space<vmem>>
        %dma_wait3A_343 = arith.constant 0 : i32
        %dma_wait3A_344 = tpu.memref_slice %arg4[%dma_wait3A_343] : memref<4194304xf32, #tpu.memory_space<hbm>> -> memref<4194304xf32, #tpu.memory_space<hbm>>
        tpu.wait_indirect_dma semaphore(%arg14 : memref<!tpu.dma_semaphore, #tpu.memory_space<semaphore_mem>>) src(%dma_wait3A_344 : memref<4194304xf32, #tpu.memory_space<hbm>>) dst(%dma_wait3A_340 : memref<512xf32, #tpu.memory_space<vmem>>)
      } else {
      }
      %gt3A_293 = arith.constant 448 : i32
      %gt3A_294 = arith.cmpi sgt, %sub3A, %gt3A_293 : i32
      %convert_element_type3A_295 = arith.extui %gt3A_294 : i1 to i32
      %cond3A_296 = arith.constant 0 : i32
      %cond3A_297 = arith.cmpi ne, %convert_element_type3A_295, %cond3A_296 : i32
      scf.if %cond3A_297 {
        %dma_wait3A_339 = arith.constant 7168 : i32
        %dma_wait3A_340 = tpu.memref_slice %arg11[%dma_wait3A_339] : memref<8192xf32, #tpu.memory_space<vmem>> -> memref<512xf32, #tpu.memory_space<vmem>>
        %dma_wait3A_341 = arith.constant 7168 : i32
        %dma_wait3A_342 = tpu.memref_slice %arg12[%dma_wait3A_341] : memref<8192xi32, #tpu.memory_space<vmem>> -> memref<512xi32, #tpu.memory_space<vmem>>
        %dma_wait3A_343 = arith.constant 0 : i32
        %dma_wait3A_344 = tpu.memref_slice %arg4[%dma_wait3A_343] : memref<4194304xf32, #tpu.memory_space<hbm>> -> memref<4194304xf32, #tpu.memory_space<hbm>>
        tpu.wait_indirect_dma semaphore(%arg14 : memref<!tpu.dma_semaphore, #tpu.memory_space<semaphore_mem>>) src(%dma_wait3A_344 : memref<4194304xf32, #tpu.memory_space<hbm>>) dst(%dma_wait3A_340 : memref<512xf32, #tpu.memory_space<vmem>>)
      } else {
      }
      %gt3A_298 = arith.constant 480 : i32
      %gt3A_299 = arith.cmpi sgt, %sub3A, %gt3A_298 : i32
      %convert_element_type3A_300 = arith.extui %gt3A_299 : i1 to i32
      %cond3A_301 = arith.constant 0 : i32
      %cond3A_302 = arith.cmpi ne, %convert_element_type3A_300, %cond3A_301 : i32
      scf.if %cond3A_302 {
        %dma_wait3A_339 = arith.constant 7680 : i32
        %dma_wait3A_340 = tpu.memref_slice %arg11[%dma_wait3A_339] : memref<8192xf32, #tpu.memory_space<vmem>> -> memref<512xf32, #tpu.memory_space<vmem>>
        %dma_wait3A_341 = arith.constant 7680 : i32
        %dma_wait3A_342 = tpu.memref_slice %arg12[%dma_wait3A_341] : memref<8192xi32, #tpu.memory_space<vmem>> -> memref<512xi32, #tpu.memory_space<vmem>>
        %dma_wait3A_343 = arith.constant 0 : i32
        %dma_wait3A_344 = tpu.memref_slice %arg4[%dma_wait3A_343] : memref<4194304xf32, #tpu.memory_space<hbm>> -> memref<4194304xf32, #tpu.memory_space<hbm>>
        tpu.wait_indirect_dma semaphore(%arg14 : memref<!tpu.dma_semaphore, #tpu.memory_space<semaphore_mem>>) src(%dma_wait3A_344 : memref<4194304xf32, #tpu.memory_space<hbm>>) dst(%dma_wait3A_340 : memref<512xf32, #tpu.memory_space<vmem>>)
      } else {
      }
      %while3A_303 = arith.constant 0 : i32
      %while3A_304 = arith.constant 0 : i32
      %while3A_305 = arith.subi %select_n3A, %while3A_304 : i32
      %while3A_306 = arith.addi %while3A_304, %while3A_305 : i32
      %while3A_307 = arith.constant 1 : i32
      %while3A_308 = arith.divsi %while3A_305, %while3A_307 : i32
      %while3A_309 = arith.muli %while3A_308, %while3A_307 : i32
      %while3A_310 = arith.addi %while3A_304, %while3A_309 : i32
      %while3A_311 = arith.constant 1 : i32
      scf.for %while3A_339 = %while3A_304 to %while3A_310 step %while3A_311  : i32 {
        %mul3A_340 = arith.constant 16 : i32
        %mul3A_341 = arith.muli %while3A_339, %mul3A_340 : i32
        %add3A_342 = arith.addi %get3A_32, %mul3A_341 : i32
        %add3A_343 = vector.broadcast %add3A_342 : i32 to vector<16xi32>
        %add3A_344 = arith.addi %add3A_343, %iota3A : vector<16xi32>
        %lt3A = vector.broadcast %get3A_36 : i32 to vector<16xi32>
        %lt3A_345 = arith.cmpi slt, %add3A_344, %lt3A : vector<16xi32>
        %get3A_346 = arith.index_cast %add3A_342 : i32 to index
        %get3A_347 = tpu.vector_load %arg8[%get3A_346] {strides = array<i32>} : memref<32784xi32, #tpu.memory_space<vmem>>, vector<16xi32>,
        %mul3A_348 = arith.constant 512 : i32
        %mul3A_349 = arith.muli %scan3A_31, %mul3A_348 : i32
        %add3A_350 = arith.addi %mul3A_2, %mul3A_349 : i32
        %broadcast_in_dim3A_351 = vector.broadcast %add3A_350 : i32 to vector<16xi32>
        %select_n3A_352 = arith.select %lt3A_345, %get3A_347, %broadcast_in_dim3A_351 : vector<16xi1>, vector<16xi32>
        %mul3A_353 = arith.constant 512 : i32
        %mul3A_354 = arith.muli %scan3A_31, %mul3A_353 : i32
        %add3A_355 = arith.addi %mul3A_2, %mul3A_354 : i32
        %sub3A_356 = vector.broadcast %add3A_355 : i32 to vector<16xi32>
        %sub3A_357 = arith.subi %select_n3A_352, %sub3A_356 : vector<16xi32>
        %shift_right_arithmetic3A = arith.constant 7 : i32
        %shift_right_arithmetic3A_358 = vector.broadcast %shift_right_arithmetic3A : i32 to vector<16xi32>
        %shift_right_arithmetic3A_359 = arith.shrsi %sub3A_357, %shift_right_arithmetic3A_358 : vector<16xi32>
        %shift_left3A = arith.constant 10 : i32
        %shift_left3A_360 = vector.broadcast %shift_left3A : i32 to vector<16xi32>
        %shift_left3A_361 = arith.shli %shift_right_arithmetic3A_359, %shift_left3A_360 : vector<16xi32>
        %and3A_362 = arith.constant 127 : i32
        %and3A_363 = vector.broadcast %and3A_362 : i32 to vector<16xi32>
        %and3A_364 = arith.andi %sub3A_357, %and3A_363 : vector<16xi32>
        %add3A_365 = arith.addi %shift_left3A_361, %and3A_364 : vector<16xi32>
        %mul3A_366 = arith.constant 16 : i32
        %mul3A_367 = arith.muli %while3A_339, %mul3A_366 : i32
        %add3A_368 = vector.broadcast %mul3A_367 : i32 to vector<16xi32>
        %add3A_369 = arith.addi %add3A_368, %iota3A : vector<16xi32>
        %mul3A_370 = arith.constant 16 : i32
        %mul3A_371 = vector.broadcast %mul3A_370 : i32 to vector<16xi32>
        %mul3A_372 = arith.muli %add3A_369, %mul3A_371 : vector<16xi32>
        %add3A_373 = arith.constant 0 : i32
        %add3A_374 = vector.broadcast %add3A_373 : i32 to vector<16xi32>
        %add3A_375 = arith.addi %mul3A_372, %add3A_374 : vector<16xi32>
        %gather3A = tpu.vector_load_idx %arg11[%add3A_375] masked %lt3A_345 : memref<8192xf32, #tpu.memory_space<vmem>>[vector<16xi32>], vector<16xf32>, vector<16xi1>
        %add3A_376 = arith.constant 0 : i32
        %add3A_377 = vector.broadcast %add3A_376 : i32 to vector<16xi32>
        %add3A_378 = arith.addi %add3A_365, %add3A_377 : vector<16xi32>
        tpu.vector_store_idx %arg10[%add3A_378], %gather3A masked %lt3A_345 : memref<8192xf32, #tpu.memory_space<vmem>>[vector<16xi32>], vector<16xf32>, vector<16xi1>
        %add3A_379 = arith.constant 1 : i32
        %add3A_380 = vector.broadcast %add3A_379 : i32 to vector<16xi32>
        %add3A_381 = arith.addi %mul3A_372, %add3A_380 : vector<16xi32>
        %gather3A_382 = tpu.vector_load_idx %arg11[%add3A_381] masked %lt3A_345 : memref<8192xf32, #tpu.memory_space<vmem>>[vector<16xi32>], vector<16xf32>, vector<16xi1>
        %add3A_383 = arith.constant 128 : i32
        %add3A_384 = vector.broadcast %add3A_383 : i32 to vector<16xi32>
        %add3A_385 = arith.addi %add3A_365, %add3A_384 : vector<16xi32>
        tpu.vector_store_idx %arg10[%add3A_385], %gather3A_382 masked %lt3A_345 : memref<8192xf32, #tpu.memory_space<vmem>>[vector<16xi32>], vector<16xf32>, vector<16xi1>
        %add3A_386 = arith.constant 2 : i32
        %add3A_387 = vector.broadcast %add3A_386 : i32 to vector<16xi32>
        %add3A_388 = arith.addi %mul3A_372, %add3A_387 : vector<16xi32>
        %gather3A_389 = tpu.vector_load_idx %arg11[%add3A_388] masked %lt3A_345 : memref<8192xf32, #tpu.memory_space<vmem>>[vector<16xi32>], vector<16xf32>, vector<16xi1>
        %add3A_390 = arith.constant 256 : i32
        %add3A_391 = vector.broadcast %add3A_390 : i32 to vector<16xi32>
        %add3A_392 = arith.addi %add3A_365, %add3A_391 : vector<16xi32>
        tpu.vector_store_idx %arg10[%add3A_392], %gather3A_389 masked %lt3A_345 : memref<8192xf32, #tpu.memory_space<vmem>>[vector<16xi32>], vector<16xf32>, vector<16xi1>
        %add3A_393 = arith.constant 3 : i32
        %add3A_394 = vector.broadcast %add3A_393 : i32 to vector<16xi32>
        %add3A_395 = arith.addi %mul3A_372, %add3A_394 : vector<16xi32>
        %gather3A_396 = tpu.vector_load_idx %arg11[%add3A_395] masked %lt3A_345 : memref<8192xf32, #tpu.memory_space<vmem>>[vector<16xi32>], vector<16xf32>, vector<16xi1>
        %add3A_397 = arith.constant 384 : i32
        %add3A_398 = vector.broadcast %add3A_397 : i32 to vector<16xi32>
        %add3A_399 = arith.addi %add3A_365, %add3A_398 : vector<16xi32>
        tpu.vector_store_idx %arg10[%add3A_399], %gather3A_396 masked %lt3A_345 : memref<8192xf32, #tpu.memory_space<vmem>>[vector<16xi32>], vector<16xf32>, vector<16xi1>
        %add3A_400 = arith.constant 4 : i32
        %add3A_401 = vector.broadcast %add3A_400 : i32 to vector<16xi32>
        %add3A_402 = arith.addi %mul3A_372, %add3A_401 : vector<16xi32>
        %gather3A_403 = tpu.vector_load_idx %arg11[%add3A_402] masked %lt3A_345 : memref<8192xf32, #tpu.memory_space<vmem>>[vector<16xi32>], vector<16xf32>, vector<16xi1>
        %add3A_404 = arith.constant 512 : i32
        %add3A_405 = vector.broadcast %add3A_404 : i32 to vector<16xi32>
        %add3A_406 = arith.addi %add3A_365, %add3A_405 : vector<16xi32>
        tpu.vector_store_idx %arg10[%add3A_406], %gather3A_403 masked %lt3A_345 : memref<8192xf32, #tpu.memory_space<vmem>>[vector<16xi32>], vector<16xf32>, vector<16xi1>
        %add3A_407 = arith.constant 5 : i32
        %add3A_408 = vector.broadcast %add3A_407 : i32 to vector<16xi32>
        %add3A_409 = arith.addi %mul3A_372, %add3A_408 : vector<16xi32>
        %gather3A_410 = tpu.vector_load_idx %arg11[%add3A_409] masked %lt3A_345 : memref<8192xf32, #tpu.memory_space<vmem>>[vector<16xi32>], vector<16xf32>, vector<16xi1>
        %add3A_411 = arith.constant 640 : i32
        %add3A_412 = vector.broadcast %add3A_411 : i32 to vector<16xi32>
        %add3A_413 = arith.addi %add3A_365, %add3A_412 : vector<16xi32>
        tpu.vector_store_idx %arg10[%add3A_413], %gather3A_410 masked %lt3A_345 : memref<8192xf32, #tpu.memory_space<vmem>>[vector<16xi32>], vector<16xf32>, vector<16xi1>
        %add3A_414 = arith.constant 6 : i32
        %add3A_415 = vector.broadcast %add3A_414 : i32 to vector<16xi32>
        %add3A_416 = arith.addi %mul3A_372, %add3A_415 : vector<16xi32>
        %gather3A_417 = tpu.vector_load_idx %arg11[%add3A_416] masked %lt3A_345 : memref<8192xf32, #tpu.memory_space<vmem>>[vector<16xi32>], vector<16xf32>, vector<16xi1>
        %add3A_418 = arith.constant 768 : i32
        %add3A_419 = vector.broadcast %add3A_418 : i32 to vector<16xi32>
        %add3A_420 = arith.addi %add3A_365, %add3A_419 : vector<16xi32>
        tpu.vector_store_idx %arg10[%add3A_420], %gather3A_417 masked %lt3A_345 : memref<8192xf32, #tpu.memory_space<vmem>>[vector<16xi32>], vector<16xf32>, vector<16xi1>
        %add3A_421 = arith.constant 7 : i32
        %add3A_422 = vector.broadcast %add3A_421 : i32 to vector<16xi32>
        %add3A_423 = arith.addi %mul3A_372, %add3A_422 : vector<16xi32>
        %gather3A_424 = tpu.vector_load_idx %arg11[%add3A_423] masked %lt3A_345 : memref<8192xf32, #tpu.memory_space<vmem>>[vector<16xi32>], vector<16xf32>, vector<16xi1>
        %add3A_425 = arith.constant 896 : i32
        %add3A_426 = vector.broadcast %add3A_425 : i32 to vector<16xi32>
        %add3A_427 = arith.addi %add3A_365, %add3A_426 : vector<16xi32>
        tpu.vector_store_idx %arg10[%add3A_427], %gather3A_424 masked %lt3A_345 : memref<8192xf32, #tpu.memory_space<vmem>>[vector<16xi32>], vector<16xf32>, vector<16xi1>
        %add3A_428 = arith.constant 8 : i32
        %add3A_429 = vector.broadcast %add3A_428 : i32 to vector<16xi32>
        %add3A_430 = arith.addi %mul3A_372, %add3A_429 : vector<16xi32>
        %gather3A_431 = tpu.vector_load_idx %arg11[%add3A_430] masked %lt3A_345 : memref<8192xf32, #tpu.memory_space<vmem>>[vector<16xi32>], vector<16xf32>, vector<16xi1>
        %add3A_432 = arith.constant 4096 : i32
        %add3A_433 = vector.broadcast %add3A_432 : i32 to vector<16xi32>
        %add3A_434 = arith.addi %add3A_365, %add3A_433 : vector<16xi32>
        tpu.vector_store_idx %arg10[%add3A_434], %gather3A_431 masked %lt3A_345 : memref<8192xf32, #tpu.memory_space<vmem>>[vector<16xi32>], vector<16xf32>, vector<16xi1>
        %add3A_435 = arith.constant 9 : i32
        %add3A_436 = vector.broadcast %add3A_435 : i32 to vector<16xi32>
        %add3A_437 = arith.addi %mul3A_372, %add3A_436 : vector<16xi32>
        %gather3A_438 = tpu.vector_load_idx %arg11[%add3A_437] masked %lt3A_345 : memref<8192xf32, #tpu.memory_space<vmem>>[vector<16xi32>], vector<16xf32>, vector<16xi1>
        %add3A_439 = arith.constant 4224 : i32
        %add3A_440 = vector.broadcast %add3A_439 : i32 to vector<16xi32>
        %add3A_441 = arith.addi %add3A_365, %add3A_440 : vector<16xi32>
        tpu.vector_store_idx %arg10[%add3A_441], %gather3A_438 masked %lt3A_345 : memref<8192xf32, #tpu.memory_space<vmem>>[vector<16xi32>], vector<16xf32>, vector<16xi1>
        %add3A_442 = arith.constant 10 : i32
        %add3A_443 = vector.broadcast %add3A_442 : i32 to vector<16xi32>
        %add3A_444 = arith.addi %mul3A_372, %add3A_443 : vector<16xi32>
        %gather3A_445 = tpu.vector_load_idx %arg11[%add3A_444] masked %lt3A_345 : memref<8192xf32, #tpu.memory_space<vmem>>[vector<16xi32>], vector<16xf32>, vector<16xi1>
        %add3A_446 = arith.constant 4352 : i32
        %add3A_447 = vector.broadcast %add3A_446 : i32 to vector<16xi32>
        %add3A_448 = arith.addi %add3A_365, %add3A_447 : vector<16xi32>
        tpu.vector_store_idx %arg10[%add3A_448], %gather3A_445 masked %lt3A_345 : memref<8192xf32, #tpu.memory_space<vmem>>[vector<16xi32>], vector<16xf32>, vector<16xi1>
        %add3A_449 = arith.constant 11 : i32
        %add3A_450 = vector.broadcast %add3A_449 : i32 to vector<16xi32>
        %add3A_451 = arith.addi %mul3A_372, %add3A_450 : vector<16xi32>
        %gather3A_452 = tpu.vector_load_idx %arg11[%add3A_451] masked %lt3A_345 : memref<8192xf32, #tpu.memory_space<vmem>>[vector<16xi32>], vector<16xf32>, vector<16xi1>
        %add3A_453 = arith.constant 4480 : i32
        %add3A_454 = vector.broadcast %add3A_453 : i32 to vector<16xi32>
        %add3A_455 = arith.addi %add3A_365, %add3A_454 : vector<16xi32>
        tpu.vector_store_idx %arg10[%add3A_455], %gather3A_452 masked %lt3A_345 : memref<8192xf32, #tpu.memory_space<vmem>>[vector<16xi32>], vector<16xf32>, vector<16xi1>
        %add3A_456 = arith.constant 12 : i32
        %add3A_457 = vector.broadcast %add3A_456 : i32 to vector<16xi32>
        %add3A_458 = arith.addi %mul3A_372, %add3A_457 : vector<16xi32>
        %gather3A_459 = tpu.vector_load_idx %arg11[%add3A_458] masked %lt3A_345 : memref<8192xf32, #tpu.memory_space<vmem>>[vector<16xi32>], vector<16xf32>, vector<16xi1>
        %add3A_460 = arith.constant 4608 : i32
        %add3A_461 = vector.broadcast %add3A_460 : i32 to vector<16xi32>
        %add3A_462 = arith.addi %add3A_365, %add3A_461 : vector<16xi32>
        tpu.vector_store_idx %arg10[%add3A_462], %gather3A_459 masked %lt3A_345 : memref<8192xf32, #tpu.memory_space<vmem>>[vector<16xi32>], vector<16xf32>, vector<16xi1>
        %add3A_463 = arith.constant 13 : i32
        %add3A_464 = vector.broadcast %add3A_463 : i32 to vector<16xi32>
        %add3A_465 = arith.addi %mul3A_372, %add3A_464 : vector<16xi32>
        %gather3A_466 = tpu.vector_load_idx %arg11[%add3A_465] masked %lt3A_345 : memref<8192xf32, #tpu.memory_space<vmem>>[vector<16xi32>], vector<16xf32>, vector<16xi1>
        %add3A_467 = arith.constant 4736 : i32
        %add3A_468 = vector.broadcast %add3A_467 : i32 to vector<16xi32>
        %add3A_469 = arith.addi %add3A_365, %add3A_468 : vector<16xi32>
        tpu.vector_store_idx %arg10[%add3A_469], %gather3A_466 masked %lt3A_345 : memref<8192xf32, #tpu.memory_space<vmem>>[vector<16xi32>], vector<16xf32>, vector<16xi1>
        %add3A_470 = arith.constant 14 : i32
        %add3A_471 = vector.broadcast %add3A_470 : i32 to vector<16xi32>
        %add3A_472 = arith.addi %mul3A_372, %add3A_471 : vector<16xi32>
        %gather3A_473 = tpu.vector_load_idx %arg11[%add3A_472] masked %lt3A_345 : memref<8192xf32, #tpu.memory_space<vmem>>[vector<16xi32>], vector<16xf32>, vector<16xi1>
        %add3A_474 = arith.constant 4864 : i32
        %add3A_475 = vector.broadcast %add3A_474 : i32 to vector<16xi32>
        %add3A_476 = arith.addi %add3A_365, %add3A_475 : vector<16xi32>
        tpu.vector_store_idx %arg10[%add3A_476], %gather3A_473 masked %lt3A_345 : memref<8192xf32, #tpu.memory_space<vmem>>[vector<16xi32>], vector<16xf32>, vector<16xi1>
        %add3A_477 = arith.constant 15 : i32
        %add3A_478 = vector.broadcast %add3A_477 : i32 to vector<16xi32>
        %add3A_479 = arith.addi %mul3A_372, %add3A_478 : vector<16xi32>
        %gather3A_480 = tpu.vector_load_idx %arg11[%add3A_479] masked %lt3A_345 : memref<8192xf32, #tpu.memory_space<vmem>>[vector<16xi32>], vector<16xf32>, vector<16xi1>
        %add3A_481 = arith.constant 4992 : i32
        %add3A_482 = vector.broadcast %add3A_481 : i32 to vector<16xi32>
        %add3A_483 = arith.addi %add3A_365, %add3A_482 : vector<16xi32>
        tpu.vector_store_idx %arg10[%add3A_483], %gather3A_480 masked %lt3A_345 : memref<8192xf32, #tpu.memory_space<vmem>>[vector<16xi32>], vector<16xf32>, vector<16xi1>
      }
      %while3A_312 = arith.constant 1 : i32
      scf.for %while3A_339 = %while3A_310 to %while3A_306 step %while3A_312  : i32 {
        %mul3A_340 = arith.constant 16 : i32
        %mul3A_341 = arith.muli %while3A_339, %mul3A_340 : i32
        %add3A_342 = arith.addi %get3A_32, %mul3A_341 : i32
        %add3A_343 = vector.broadcast %add3A_342 : i32 to vector<16xi32>
        %add3A_344 = arith.addi %add3A_343, %iota3A : vector<16xi32>
        %lt3A = vector.broadcast %get3A_36 : i32 to vector<16xi32>
        %lt3A_345 = arith.cmpi slt, %add3A_344, %lt3A : vector<16xi32>
        %get3A_346 = arith.index_cast %add3A_342 : i32 to index
        %get3A_347 = tpu.vector_load %arg8[%get3A_346] {strides = array<i32>} : memref<32784xi32, #tpu.memory_space<vmem>>, vector<16xi32>,
        %mul3A_348 = arith.constant 512 : i32
        %mul3A_349 = arith.muli %scan3A_31, %mul3A_348 : i32
        %add3A_350 = arith.addi %mul3A_2, %mul3A_349 : i32
        %broadcast_in_dim3A_351 = vector.broadcast %add3A_350 : i32 to vector<16xi32>
        %select_n3A_352 = arith.select %lt3A_345, %get3A_347, %broadcast_in_dim3A_351 : vector<16xi1>, vector<16xi32>
        %mul3A_353 = arith.constant 512 : i32
        %mul3A_354 = arith.muli %scan3A_31, %mul3A_353 : i32
        %add3A_355 = arith.addi %mul3A_2, %mul3A_354 : i32
        %sub3A_356 = vector.broadcast %add3A_355 : i32 to vector<16xi32>
        %sub3A_357 = arith.subi %select_n3A_352, %sub3A_356 : vector<16xi32>
        %shift_right_arithmetic3A = arith.constant 7 : i32
        %shift_right_arithmetic3A_358 = vector.broadcast %shift_right_arithmetic3A : i32 to vector<16xi32>
        %shift_right_arithmetic3A_359 = arith.shrsi %sub3A_357, %shift_right_arithmetic3A_358 : vector<16xi32>
        %shift_left3A = arith.constant 10 : i32
        %shift_left3A_360 = vector.broadcast %shift_left3A : i32 to vector<16xi32>
        %shift_left3A_361 = arith.shli %shift_right_arithmetic3A_359, %shift_left3A_360 : vector<16xi32>
        %and3A_362 = arith.constant 127 : i32
        %and3A_363 = vector.broadcast %and3A_362 : i32 to vector<16xi32>
        %and3A_364 = arith.andi %sub3A_357, %and3A_363 : vector<16xi32>
        %add3A_365 = arith.addi %shift_left3A_361, %and3A_364 : vector<16xi32>
        %mul3A_366 = arith.constant 16 : i32
        %mul3A_367 = arith.muli %while3A_339, %mul3A_366 : i32
        %add3A_368 = vector.broadcast %mul3A_367 : i32 to vector<16xi32>
        %add3A_369 = arith.addi %add3A_368, %iota3A : vector<16xi32>
        %mul3A_370 = arith.constant 16 : i32
        %mul3A_371 = vector.broadcast %mul3A_370 : i32 to vector<16xi32>
        %mul3A_372 = arith.muli %add3A_369, %mul3A_371 : vector<16xi32>
        %add3A_373 = arith.constant 0 : i32
        %add3A_374 = vector.broadcast %add3A_373 : i32 to vector<16xi32>
        %add3A_375 = arith.addi %mul3A_372, %add3A_374 : vector<16xi32>
        %gather3A = tpu.vector_load_idx %arg11[%add3A_375] masked %lt3A_345 : memref<8192xf32, #tpu.memory_space<vmem>>[vector<16xi32>], vector<16xf32>, vector<16xi1>
        %add3A_376 = arith.constant 0 : i32
        %add3A_377 = vector.broadcast %add3A_376 : i32 to vector<16xi32>
        %add3A_378 = arith.addi %add3A_365, %add3A_377 : vector<16xi32>
        tpu.vector_store_idx %arg10[%add3A_378], %gather3A masked %lt3A_345 : memref<8192xf32, #tpu.memory_space<vmem>>[vector<16xi32>], vector<16xf32>, vector<16xi1>
        %add3A_379 = arith.constant 1 : i32
        %add3A_380 = vector.broadcast %add3A_379 : i32 to vector<16xi32>
        %add3A_381 = arith.addi %mul3A_372, %add3A_380 : vector<16xi32>
        %gather3A_382 = tpu.vector_load_idx %arg11[%add3A_381] masked %lt3A_345 : memref<8192xf32, #tpu.memory_space<vmem>>[vector<16xi32>], vector<16xf32>, vector<16xi1>
        %add3A_383 = arith.constant 128 : i32
        %add3A_384 = vector.broadcast %add3A_383 : i32 to vector<16xi32>
        %add3A_385 = arith.addi %add3A_365, %add3A_384 : vector<16xi32>
        tpu.vector_store_idx %arg10[%add3A_385], %gather3A_382 masked %lt3A_345 : memref<8192xf32, #tpu.memory_space<vmem>>[vector<16xi32>], vector<16xf32>, vector<16xi1>
        %add3A_386 = arith.constant 2 : i32
        %add3A_387 = vector.broadcast %add3A_386 : i32 to vector<16xi32>
        %add3A_388 = arith.addi %mul3A_372, %add3A_387 : vector<16xi32>
        %gather3A_389 = tpu.vector_load_idx %arg11[%add3A_388] masked %lt3A_345 : memref<8192xf32, #tpu.memory_space<vmem>>[vector<16xi32>], vector<16xf32>, vector<16xi1>
        %add3A_390 = arith.constant 256 : i32
        %add3A_391 = vector.broadcast %add3A_390 : i32 to vector<16xi32>
        %add3A_392 = arith.addi %add3A_365, %add3A_391 : vector<16xi32>
        tpu.vector_store_idx %arg10[%add3A_392], %gather3A_389 masked %lt3A_345 : memref<8192xf32, #tpu.memory_space<vmem>>[vector<16xi32>], vector<16xf32>, vector<16xi1>
        %add3A_393 = arith.constant 3 : i32
        %add3A_394 = vector.broadcast %add3A_393 : i32 to vector<16xi32>
        %add3A_395 = arith.addi %mul3A_372, %add3A_394 : vector<16xi32>
        %gather3A_396 = tpu.vector_load_idx %arg11[%add3A_395] masked %lt3A_345 : memref<8192xf32, #tpu.memory_space<vmem>>[vector<16xi32>], vector<16xf32>, vector<16xi1>
        %add3A_397 = arith.constant 384 : i32
        %add3A_398 = vector.broadcast %add3A_397 : i32 to vector<16xi32>
        %add3A_399 = arith.addi %add3A_365, %add3A_398 : vector<16xi32>
        tpu.vector_store_idx %arg10[%add3A_399], %gather3A_396 masked %lt3A_345 : memref<8192xf32, #tpu.memory_space<vmem>>[vector<16xi32>], vector<16xf32>, vector<16xi1>
        %add3A_400 = arith.constant 4 : i32
        %add3A_401 = vector.broadcast %add3A_400 : i32 to vector<16xi32>
        %add3A_402 = arith.addi %mul3A_372, %add3A_401 : vector<16xi32>
        %gather3A_403 = tpu.vector_load_idx %arg11[%add3A_402] masked %lt3A_345 : memref<8192xf32, #tpu.memory_space<vmem>>[vector<16xi32>], vector<16xf32>, vector<16xi1>
        %add3A_404 = arith.constant 512 : i32
        %add3A_405 = vector.broadcast %add3A_404 : i32 to vector<16xi32>
        %add3A_406 = arith.addi %add3A_365, %add3A_405 : vector<16xi32>
        tpu.vector_store_idx %arg10[%add3A_406], %gather3A_403 masked %lt3A_345 : memref<8192xf32, #tpu.memory_space<vmem>>[vector<16xi32>], vector<16xf32>, vector<16xi1>
        %add3A_407 = arith.constant 5 : i32
        %add3A_408 = vector.broadcast %add3A_407 : i32 to vector<16xi32>
        %add3A_409 = arith.addi %mul3A_372, %add3A_408 : vector<16xi32>
        %gather3A_410 = tpu.vector_load_idx %arg11[%add3A_409] masked %lt3A_345 : memref<8192xf32, #tpu.memory_space<vmem>>[vector<16xi32>], vector<16xf32>, vector<16xi1>
        %add3A_411 = arith.constant 640 : i32
        %add3A_412 = vector.broadcast %add3A_411 : i32 to vector<16xi32>
        %add3A_413 = arith.addi %add3A_365, %add3A_412 : vector<16xi32>
        tpu.vector_store_idx %arg10[%add3A_413], %gather3A_410 masked %lt3A_345 : memref<8192xf32, #tpu.memory_space<vmem>>[vector<16xi32>], vector<16xf32>, vector<16xi1>
        %add3A_414 = arith.constant 6 : i32
        %add3A_415 = vector.broadcast %add3A_414 : i32 to vector<16xi32>
        %add3A_416 = arith.addi %mul3A_372, %add3A_415 : vector<16xi32>
        %gather3A_417 = tpu.vector_load_idx %arg11[%add3A_416] masked %lt3A_345 : memref<8192xf32, #tpu.memory_space<vmem>>[vector<16xi32>], vector<16xf32>, vector<16xi1>
        %add3A_418 = arith.constant 768 : i32
        %add3A_419 = vector.broadcast %add3A_418 : i32 to vector<16xi32>
        %add3A_420 = arith.addi %add3A_365, %add3A_419 : vector<16xi32>
        tpu.vector_store_idx %arg10[%add3A_420], %gather3A_417 masked %lt3A_345 : memref<8192xf32, #tpu.memory_space<vmem>>[vector<16xi32>], vector<16xf32>, vector<16xi1>
        %add3A_421 = arith.constant 7 : i32
        %add3A_422 = vector.broadcast %add3A_421 : i32 to vector<16xi32>
        %add3A_423 = arith.addi %mul3A_372, %add3A_422 : vector<16xi32>
        %gather3A_424 = tpu.vector_load_idx %arg11[%add3A_423] masked %lt3A_345 : memref<8192xf32, #tpu.memory_space<vmem>>[vector<16xi32>], vector<16xf32>, vector<16xi1>
        %add3A_425 = arith.constant 896 : i32
        %add3A_426 = vector.broadcast %add3A_425 : i32 to vector<16xi32>
        %add3A_427 = arith.addi %add3A_365, %add3A_426 : vector<16xi32>
        tpu.vector_store_idx %arg10[%add3A_427], %gather3A_424 masked %lt3A_345 : memref<8192xf32, #tpu.memory_space<vmem>>[vector<16xi32>], vector<16xf32>, vector<16xi1>
        %add3A_428 = arith.constant 8 : i32
        %add3A_429 = vector.broadcast %add3A_428 : i32 to vector<16xi32>
        %add3A_430 = arith.addi %mul3A_372, %add3A_429 : vector<16xi32>
        %gather3A_431 = tpu.vector_load_idx %arg11[%add3A_430] masked %lt3A_345 : memref<8192xf32, #tpu.memory_space<vmem>>[vector<16xi32>], vector<16xf32>, vector<16xi1>
        %add3A_432 = arith.constant 4096 : i32
        %add3A_433 = vector.broadcast %add3A_432 : i32 to vector<16xi32>
        %add3A_434 = arith.addi %add3A_365, %add3A_433 : vector<16xi32>
        tpu.vector_store_idx %arg10[%add3A_434], %gather3A_431 masked %lt3A_345 : memref<8192xf32, #tpu.memory_space<vmem>>[vector<16xi32>], vector<16xf32>, vector<16xi1>
        %add3A_435 = arith.constant 9 : i32
        %add3A_436 = vector.broadcast %add3A_435 : i32 to vector<16xi32>
        %add3A_437 = arith.addi %mul3A_372, %add3A_436 : vector<16xi32>
        %gather3A_438 = tpu.vector_load_idx %arg11[%add3A_437] masked %lt3A_345 : memref<8192xf32, #tpu.memory_space<vmem>>[vector<16xi32>], vector<16xf32>, vector<16xi1>
        %add3A_439 = arith.constant 4224 : i32
        %add3A_440 = vector.broadcast %add3A_439 : i32 to vector<16xi32>
        %add3A_441 = arith.addi %add3A_365, %add3A_440 : vector<16xi32>
        tpu.vector_store_idx %arg10[%add3A_441], %gather3A_438 masked %lt3A_345 : memref<8192xf32, #tpu.memory_space<vmem>>[vector<16xi32>], vector<16xf32>, vector<16xi1>
        %add3A_442 = arith.constant 10 : i32
        %add3A_443 = vector.broadcast %add3A_442 : i32 to vector<16xi32>
        %add3A_444 = arith.addi %mul3A_372, %add3A_443 : vector<16xi32>
        %gather3A_445 = tpu.vector_load_idx %arg11[%add3A_444] masked %lt3A_345 : memref<8192xf32, #tpu.memory_space<vmem>>[vector<16xi32>], vector<16xf32>, vector<16xi1>
        %add3A_446 = arith.constant 4352 : i32
        %add3A_447 = vector.broadcast %add3A_446 : i32 to vector<16xi32>
        %add3A_448 = arith.addi %add3A_365, %add3A_447 : vector<16xi32>
        tpu.vector_store_idx %arg10[%add3A_448], %gather3A_445 masked %lt3A_345 : memref<8192xf32, #tpu.memory_space<vmem>>[vector<16xi32>], vector<16xf32>, vector<16xi1>
        %add3A_449 = arith.constant 11 : i32
        %add3A_450 = vector.broadcast %add3A_449 : i32 to vector<16xi32>
        %add3A_451 = arith.addi %mul3A_372, %add3A_450 : vector<16xi32>
        %gather3A_452 = tpu.vector_load_idx %arg11[%add3A_451] masked %lt3A_345 : memref<8192xf32, #tpu.memory_space<vmem>>[vector<16xi32>], vector<16xf32>, vector<16xi1>
        %add3A_453 = arith.constant 4480 : i32
        %add3A_454 = vector.broadcast %add3A_453 : i32 to vector<16xi32>
        %add3A_455 = arith.addi %add3A_365, %add3A_454 : vector<16xi32>
        tpu.vector_store_idx %arg10[%add3A_455], %gather3A_452 masked %lt3A_345 : memref<8192xf32, #tpu.memory_space<vmem>>[vector<16xi32>], vector<16xf32>, vector<16xi1>
        %add3A_456 = arith.constant 12 : i32
        %add3A_457 = vector.broadcast %add3A_456 : i32 to vector<16xi32>
        %add3A_458 = arith.addi %mul3A_372, %add3A_457 : vector<16xi32>
        %gather3A_459 = tpu.vector_load_idx %arg11[%add3A_458] masked %lt3A_345 : memref<8192xf32, #tpu.memory_space<vmem>>[vector<16xi32>], vector<16xf32>, vector<16xi1>
        %add3A_460 = arith.constant 4608 : i32
        %add3A_461 = vector.broadcast %add3A_460 : i32 to vector<16xi32>
        %add3A_462 = arith.addi %add3A_365, %add3A_461 : vector<16xi32>
        tpu.vector_store_idx %arg10[%add3A_462], %gather3A_459 masked %lt3A_345 : memref<8192xf32, #tpu.memory_space<vmem>>[vector<16xi32>], vector<16xf32>, vector<16xi1>
        %add3A_463 = arith.constant 13 : i32
        %add3A_464 = vector.broadcast %add3A_463 : i32 to vector<16xi32>
        %add3A_465 = arith.addi %mul3A_372, %add3A_464 : vector<16xi32>
        %gather3A_466 = tpu.vector_load_idx %arg11[%add3A_465] masked %lt3A_345 : memref<8192xf32, #tpu.memory_space<vmem>>[vector<16xi32>], vector<16xf32>, vector<16xi1>
        %add3A_467 = arith.constant 4736 : i32
        %add3A_468 = vector.broadcast %add3A_467 : i32 to vector<16xi32>
        %add3A_469 = arith.addi %add3A_365, %add3A_468 : vector<16xi32>
        tpu.vector_store_idx %arg10[%add3A_469], %gather3A_466 masked %lt3A_345 : memref<8192xf32, #tpu.memory_space<vmem>>[vector<16xi32>], vector<16xf32>, vector<16xi1>
        %add3A_470 = arith.constant 14 : i32
        %add3A_471 = vector.broadcast %add3A_470 : i32 to vector<16xi32>
        %add3A_472 = arith.addi %mul3A_372, %add3A_471 : vector<16xi32>
        %gather3A_473 = tpu.vector_load_idx %arg11[%add3A_472] masked %lt3A_345 : memref<8192xf32, #tpu.memory_space<vmem>>[vector<16xi32>], vector<16xf32>, vector<16xi1>
        %add3A_474 = arith.constant 4864 : i32
        %add3A_475 = vector.broadcast %add3A_474 : i32 to vector<16xi32>
        %add3A_476 = arith.addi %add3A_365, %add3A_475 : vector<16xi32>
        tpu.vector_store_idx %arg10[%add3A_476], %gather3A_473 masked %lt3A_345 : memref<8192xf32, #tpu.memory_space<vmem>>[vector<16xi32>], vector<16xf32>, vector<16xi1>
        %add3A_477 = arith.constant 15 : i32
        %add3A_478 = vector.broadcast %add3A_477 : i32 to vector<16xi32>
        %add3A_479 = arith.addi %mul3A_372, %add3A_478 : vector<16xi32>
        %gather3A_480 = tpu.vector_load_idx %arg11[%add3A_479] masked %lt3A_345 : memref<8192xf32, #tpu.memory_space<vmem>>[vector<16xi32>], vector<16xf32>, vector<16xi1>
        %add3A_481 = arith.constant 4992 : i32
        %add3A_482 = vector.broadcast %add3A_481 : i32 to vector<16xi32>
        %add3A_483 = arith.addi %add3A_365, %add3A_482 : vector<16xi32>
        tpu.vector_store_idx %arg10[%add3A_483], %gather3A_480 masked %lt3A_345 : memref<8192xf32, #tpu.memory_space<vmem>>[vector<16xi32>], vector<16xf32>, vector<16xi1>
      }
      %add3A_313 = arith.constant 8388608 : i32
      %add3A_314 = arith.addi %add3A_313, %mul3A_84 : i32
      %dma_start3A_315 = arith.constant 0 : i32
      %dma_start3A_316 = tpu.memref_slice %arg10[%dma_start3A_315] : memref<8192xf32, #tpu.memory_space<vmem>> -> memref<4096xf32, #tpu.memory_space<vmem>>
      %dma_start3A_317 = tpu.memref_slice %arg5[%mul3A_84] : memref<16777216xf32, #tpu.memory_space<hbm>> -> memref<4096xf32, #tpu.memory_space<hbm>>
      %dma_start3A_318 = tpu.memref_slice %arg5[%mul3A_84] : memref<16777216xf32, #tpu.memory_space<hbm>> -> memref<4096xf32, #tpu.memory_space<hbm>>
      %dma_start3A_319 = arith.constant 0 : i32
      %dma_start3A_320 = tpu.memref_slice %arg10[%dma_start3A_319] : memref<8192xf32, #tpu.memory_space<vmem>> -> memref<4096xf32, #tpu.memory_space<vmem>>
      tpu.enqueue_dma source(%dma_start3A_320 : memref<4096xf32, #tpu.memory_space<vmem>>) target(%dma_start3A_318 : memref<4096xf32, #tpu.memory_space<hbm>>) target_semaphore(%arg14 : memref<!tpu.dma_semaphore, #tpu.memory_space<semaphore_mem>>)
      %dma_start3A_321 = arith.constant 4096 : i32
      %dma_start3A_322 = tpu.memref_slice %arg10[%dma_start3A_321] : memref<8192xf32, #tpu.memory_space<vmem>> -> memref<4096xf32, #tpu.memory_space<vmem>>
      %dma_start3A_323 = tpu.memref_slice %arg5[%add3A_314] : memref<16777216xf32, #tpu.memory_space<hbm>> -> memref<4096xf32, #tpu.memory_space<hbm>>
      %dma_start3A_324 = tpu.memref_slice %arg5[%add3A_314] : memref<16777216xf32, #tpu.memory_space<hbm>> -> memref<4096xf32, #tpu.memory_space<hbm>>
      %dma_start3A_325 = arith.constant 4096 : i32
      %dma_start3A_326 = tpu.memref_slice %arg10[%dma_start3A_325] : memref<8192xf32, #tpu.memory_space<vmem>> -> memref<4096xf32, #tpu.memory_space<vmem>>
      tpu.enqueue_dma source(%dma_start3A_326 : memref<4096xf32, #tpu.memory_space<vmem>>) target(%dma_start3A_324 : memref<4096xf32, #tpu.memory_space<hbm>>) target_semaphore(%arg14 : memref<!tpu.dma_semaphore, #tpu.memory_space<semaphore_mem>>)
      %dma_wait3A_327 = arith.constant 0 : i32
      %dma_wait3A_328 = tpu.memref_slice %arg10[%dma_wait3A_327] : memref<8192xf32, #tpu.memory_space<vmem>> -> memref<4096xf32, #tpu.memory_space<vmem>>
      %dma_wait3A_329 = tpu.memref_slice %arg5[%mul3A_84] : memref<16777216xf32, #tpu.memory_space<hbm>> -> memref<4096xf32, #tpu.memory_space<hbm>>
      %dma_wait3A_330 = tpu.memref_slice %arg5[%mul3A_84] : memref<16777216xf32, #tpu.memory_space<hbm>> -> memref<4096xf32, #tpu.memory_space<hbm>>
      %dma_wait3A_331 = arith.constant 0 : i32
      %dma_wait3A_332 = tpu.memref_slice %arg10[%dma_wait3A_331] : memref<8192xf32, #tpu.memory_space<vmem>> -> memref<4096xf32, #tpu.memory_space<vmem>>
      tpu.wait_dma2 semaphore(%arg14 : memref<!tpu.dma_semaphore, #tpu.memory_space<semaphore_mem>>) src(%dma_wait3A_332 : memref<4096xf32, #tpu.memory_space<vmem>>) dst(%dma_wait3A_330 : memref<4096xf32, #tpu.memory_space<hbm>>)
      %dma_wait3A_333 = arith.constant 4096 : i32
      %dma_wait3A_334 = tpu.memref_slice %arg10[%dma_wait3A_333] : memref<8192xf32, #tpu.memory_space<vmem>> -> memref<4096xf32, #tpu.memory_space<vmem>>
      %dma_wait3A_335 = tpu.memref_slice %arg5[%add3A_314] : memref<16777216xf32, #tpu.memory_space<hbm>> -> memref<4096xf32, #tpu.memory_space<hbm>>
      %dma_wait3A_336 = tpu.memref_slice %arg5[%add3A_314] : memref<16777216xf32, #tpu.memory_space<hbm>> -> memref<4096xf32, #tpu.memory_space<hbm>>
      %dma_wait3A_337 = arith.constant 4096 : i32
      %dma_wait3A_338 = tpu.memref_slice %arg10[%dma_wait3A_337] : memref<8192xf32, #tpu.memory_space<vmem>> -> memref<4096xf32, #tpu.memory_space<vmem>>
      tpu.wait_dma2 semaphore(%arg14 : memref<!tpu.dma_semaphore, #tpu.memory_space<semaphore_mem>>) src(%dma_wait3A_338 : memref<4096xf32, #tpu.memory_space<vmem>>) dst(%dma_wait3A_336 : memref<4096xf32, #tpu.memory_space<hbm>>)
    }
    %scan3A_30 = arith.constant 64 : i32
    return
  }
}

</mosaic_0001>

<sc_bundles>
// kernel: sc_scatter_native.3.cloned.1.call-start
scs
__scs_entry_jumppad:
0x0: {  	(pc) =	sbr.rel $0x88, $3  }
0x1: {  	(tag) =	ssettag $0x0;
	lr =	simm.s32 $0x1  }
0x2: {  	[smem:$0x3F9E] =	sst lr;
	_ =	strace $0xD0000000  }
0x3: {  	_ = 	snop  }
0x4: {  	_ = 	snop  }
0x5: {  	_ = 	snop  }
0x6: {  	_ = 	snop  }
0x7: {  	_ = 	snop  }
__scs_overlays_trampoline_lowered:
0x8: {  	[smem:$0x3FAD] =	sst s0  }
0x9: {  	[smem:$0x3FAE] =	sst s1  }
0xa: {  	[smem:$0x3FAF] =	sst s2  }
0xb: {  	[smem:$0x3FB0] =	sst s3  }
0xc: {  	[smem:$0x3FB1] =	sst s4  }
0xd: {  	[smem:$0x3FB2] =	sst s5  }
0xe: {  	[smem:$0x3FB3] =	sst s6  }
0xf: {  	[smem:$0x3FB4] =	sst s7  }
0x10: {  	[smem:$0x3FB5] =	sst s8  }
0x11: {  	[smem:$0x3FB6] =	sst s9;
	s0 =	simm.s32 @!p0 $0x0  }
0x12: {  	s1 =	sld [smem:$0x3F9C];
	s0 =	simm.s32 @p0 $0x1  }
0x13: {  	[smem:$0x3FB7] =	sst s0;
	s0 =	simm.s32 @!p1 $0x0  }
0x14: {  	s2 =	sld [smem:$0x3F9B];
	s0 =	simm.s32 @p1 $0x1  }
0x15: {  	[smem:$0x3FB8] =	sst s0;
	s0 =	simm.s32 @!p2 $0x0  }
0x16: {  	s3 =	sld [smem:$0x3FDB];
	s0 =	simm.s32 @p2 $0x1  }
0x17: {  	s4 =	simm.s32 $0x1BF5;
	[smem:$0x3FBA] =	sst s0  }
0x18: {  	s0 =	sld [smem:$0x3F9D];
	_ =	swait.ge [sflag:s4], $0x0  }
0x19: {  	s7 =	sld [smem:$0x3F9E]  }
0x1a: {  	s8 =	sadd.s32 $0xFFFFE003, lr  }
0x1b: {  	s9 =	sadd.s32 $0xFFFFFEF7, lr;
	s5 =	simm.s32 $0xFFFFFFFF;
	p2 =	slt.u32 s8, $0xFFFFF086  }
0x1c: {  	p1 =	slt.u32 s9, $0xF7A;
	s5 =	simm.s32 @!p2 $0x0  }
0x1d: {  	s5 =	simm.s32 @p1 $0x1;
	p0 =	seq.s32 s7, s2  }
0x1e: {  	s7 =	smul.u32 @!p0 $0xF7A, s2;
	p2 =	seq.s32 @!p0 s5, $0x0  }
0x1f: {  	s9 =	smul.u32 $0xF7A, s1;
	s8 =	simm.s32 @!p0 $0x1BF5;
	p2 =	por !p2, p0  }
0x20: {  	[sflag:s8] =	ssyncset.s32 @!p0 $0xFFFFF086;
	s6 =	sadd.s32 @!p0 s3, s7;
	s7 =	simm.s32 @!p0 $0x108  }
0x21: {  	s3 =	sadd.s32 s3, s9;
	s6 =	sadd.s32 @!p0 $0x88, s6;
	s7 =	simm.s32 @p2 $0x1082  }
0x22: {  	[simem:s7], [sflag:s8] =	dma.local @!p0 [hbm:s6], $0xF7A  }
0x23: {  	s9 =	sor.u32 $0xD0000000, s2;
	s6 =	simm.s32 $0x108;
	_ =	swait.ge @!p0 [sflag:s8], $0x0  }
0x24: {  	s3 =	sadd.s32 $0x88, s3;
	s6 =	simm.s32 @!p1 $0x1082;
	[sflag:s4] =	ssyncset.s32 $0xFFFFF086  }
0x25: {  	[simem:s6], [sflag:s4] =	dma.local [hbm:s3], $0xF7A  }
0x26: {  	[smem:$0x3F9E] =	sst s1;
	(tag) =	ssettag s2;
	_ =	strace s9  }
0x27: {  	s1 =	sld [smem:$0x3FAE]  }
0x28: {  	s2 =	sld [smem:$0x3FAF]  }
0x29: {  	s4 =	sld [smem:$0x3FB1]  }
0x2a: {  	p0 =	seq.s32 s5, $0x0;
	s5 =	sld [smem:$0x3FB2]  }
0x2b: {  	s6 =	sld [smem:$0x3FB3]  }
0x2c: {  	s7 =	sld [smem:$0x3FB4]  }
0x2d: {  	s3 =	simm.s32 $0x108;
	s8 =	sld [smem:$0x3FB5]  }
0x2e: {  	s3 =	simm.s32 @!p0 $0x1082;
	s9 =	sld [smem:$0x3FB6]  }
0x2f: {  	lr =	sadd.s32 s0, s3;
	s0 =	sld [smem:$0x3FAD]  }
0x30: {  	s3 =	sld [smem:$0x3FB0]  }
0x31: {  	[smem:$0x3FB9] =	sst s10  }
0x32: {  	s10 =	sld [smem:$0x3FB7];
	_ =	sdelay $0x3  }
0x33: {  	p0 =	seq.s32 s10, $0x1;
	s10 =	sld [smem:$0x3FB9];
	_ =	sdelay $0x3  }
0x34: {  	[smem:$0x3FB9] =	sst s10  }
0x35: {  	s10 =	sld [smem:$0x3FB8];
	_ =	sdelay $0x3  }
0x36: {  	p1 =	seq.s32 s10, $0x1;
	s10 =	sld [smem:$0x3FB9];
	_ =	sdelay $0x3  }
0x37: {  	[smem:$0x3FB9] =	sst s10  }
0x38: {  	s10 =	sld [smem:$0x3FBA]  }
0x39: {  	_ = 	snop;
	(pc) =	sbr.ind lr, $3  }
0x3a: {  	_ = 	snop  }
0x3b: {  	_ = 	snop  }
0x3c: {  	p2 =	seq.s32 s10, $0x1;
	s10 =	sld [smem:$0x3FB9]  }
0x3d: {  	_ =	shalt  }
0x3e: {  	_ =	shalt  }
0x3f: {  	_ =	shalt  }
0x40: {  	_ =	shalt  }
0x41: {  	_ =	shalt  }
0x42: {  	_ =	shalt  }
0x43: {  	_ =	shalt  }
0x44: {  	_ =	shalt  }
0x45: {  	_ =	shalt  }
0x46: {  	_ =	shalt  }
0x47: {  	_ =	shalt  }
0x48: {  	_ =	shalt  }
0x49: {  	_ =	shalt  }
0x4a: {  	_ =	shalt  }
0x4b: {  	_ =	shalt  }
0x4c: {  	_ =	shalt  }
0x4d: {  	_ =	shalt  }
0x4e: {  	_ =	shalt  }
0x4f: {  	_ =	shalt  }
0x50: {  	_ =	shalt  }
0x51: {  	_ =	shalt  }
0x52: {  	_ =	shalt  }
0x53: {  	_ =	shalt  }
0x54: {  	_ =	shalt  }
0x55: {  	_ =	shalt  }
0x56: {  	_ =	shalt  }
0x57: {  	_ =	shalt  }
0x58: {  	_ =	shalt  }
0x59: {  	_ =	shalt  }
0x5a: {  	_ =	shalt  }
0x5b: {  	_ =	shalt  }
0x5c: {  	_ =	shalt  }
0x5d: {  	_ =	shalt  }
0x5e: {  	_ =	shalt  }
0x5f: {  	_ =	shalt  }
0x60: {  	_ =	shalt  }
0x61: {  	_ =	shalt  }
0x62: {  	_ =	shalt  }
0x63: {  	_ =	shalt  }
0x64: {  	_ =	shalt  }
0x65: {  	_ =	shalt  }
0x66: {  	_ =	shalt  }
0x67: {  	_ =	shalt  }
0x68: {  	_ =	shalt  }
0x69: {  	_ =	shalt  }
0x6a: {  	_ =	shalt  }
0x6b: {  	_ =	shalt  }
0x6c: {  	_ =	shalt  }
0x6d: {  	_ =	shalt  }
0x6e: {  	_ =	shalt  }
0x6f: {  	_ =	shalt  }
0x70: {  	_ =	shalt  }
0x71: {  	_ =	shalt  }
0x72: {  	_ =	shalt  }
0x73: {  	_ =	shalt  }
0x74: {  	_ =	shalt  }
0x75: {  	_ =	shalt  }
0x76: {  	_ =	shalt  }
0x77: {  	_ =	shalt  }
0x78: {  	_ =	shalt  }
0x79: {  	_ =	shalt  }
0x7a: {  	_ =	shalt  }
0x7b: {  	_ =	shalt  }
0x7c: {  	_ =	shalt  }
0x7d: {  	_ =	shalt  }
0x7e: {  	_ =	shalt  }
0x7f: {  	_ =	shalt  }
0x80: {  	_ =	shalt  }
0x81: {  	_ =	shalt  }
0x82: {  	_ =	shalt  }
0x83: {  	_ =	shalt  }
0x84: {  	_ =	shalt  }
0x85: {  	_ =	shalt  }
0x86: {  	_ =	shalt  }
0x87: {  	_ =	shalt  }
.Lfunc_end0:
.L_simem_size_0:
called_computation_lowered:
.L_overlay_start_0:
0x88: {  	s2 =	sld [smem:$0x3FD9]  }
0x89: {  	s3 =	sld [smem:$0x3FFE];
	_ =	sdelay $0x1  }
0x8a: {  	s1 =	srdreg.scid  }
0x8b: {  	s0 =	sand.u32 $0x1, s1  }
0x8c: {  	s18 =	sshll.u32 s0, $0xA;
	s2 =	sadd.s32 s3, s2  }
0x8d: {  	s2 =	sadd.s32 s2, s18  }
0x8e: {  	[smem:$0x3FC5] =	sst s2  }
0x8f: {  	_ = 	snop  }
0x90: {  	s2 =	sld [smem:$0x3FC9]  }
0x91: {  	s19 =	sld [smem:$0x3FC8]  }
0x92: {  	s4 =	sld [smem:$0x3FC7]  }
0x93: {  	s5 =	sld [smem:$0x3FD0];
	(tm) =	ssettm $0x1  }
0x94: {  	s6 =	sld [smem:$0x3FFB];
	_ =	sdelay $0x3  }
0x95: {  	_ =	strace s6  }
0x96: {  	s6 =	sld [smem:$0x3FFC];
	_ =	sdelay $0x3  }
0x97: {  	_ =	strace s6  }
0x98: {  	s6 =	sld [smem:$0x3FFD];
	_ =	sdelay $0x3  }
0x99: {  	_ =	strace s6  }
0x9a: {  	_ =	strace $0x8FFFFFFF  }
0x9b: {  	s20 =	sld [smem:$0x3FDB];
	_ =	sdelay $0x1  }
0x9c: {  	s7 =	simm.s32 $_scs_section_size  }
0x9d: {  	s8 =	simm.s32 $_size__tile_overlayer_lowered;
	s9 =	simm.s32 $_tile_overlayer_lowered  }
0x9e: {  	s23 =	simm.s32 $0x1BFF;
	s22 =	sshll.u32 s9, $0x1;
	s6 =	sadd.s32 s7, s20  }
0x9f: {  	s10 =	simm.s32 $0x0;
	s21 =	sshll.u32 s8, $0x1;
	s8 =	sadd.s32 s22, s6  }
0xa0: {  	[timem:s10], [sflag:s23] =	dma.local [hbm:s8], s21  }
0xa1: {  	_ =	swait.ge [sflag:s23], s21  }
0xa2: {  	s7 =	ssub.s32 $0x0, s21;
	[sflag:s23] =	ssyncset.done $0x0  }
0xa3: {  	[sflag:s23] =	ssyncadd.s32 s7;
	_ =	sdelay $0x1  }
0xa4: {  	s24 =	simm.s32 $0x1B8B  }
0xa5: {  	_ =	swait.ge [sflag:s24], $0x1  }
0xa6: {  	[sflag:s24] =	ssyncset.done $0x0  }
0xa7: {  	s25 =	simm.s32 $0x1B8E;
	[sflag:s24] =	ssyncadd.s32 $0xFFFFFFFF  }
0xa8: {  	s26 =	simm.s32 $execute0_lowered;
	[smem:$0x3FD2] =	sst s25  }
0xa9: {  	s7 =	sshll.u32 s26, $0x1;
	_ =	strace $0x80000046;
	[dreg:$0x1] =	wrdreg $0xFFFFFFFF  }
0xaa: {  	s28 =	simm.s32 $_size_execute0_lowered;
	s6 =	sadd.s32 s6, s7;
	[dreg:$0x0] =	wrdreg $0x0  }
0xab: {  	s7 =	sshll.u32 s28, $0x1;
	[dreg:$0x2] =	wrdreg s6  }
0xac: {  	[dreg:$0x3] =	wrdreg s7  }
0xad: {  	[dreg:$0x4] =	wrdreg $0xC0  }
0xae: {  	_ =	task [dreg:s10], $0x5FFFF  }
0xaf: {  	[dreg:$0x1] =	wrdreg $0xFFFFFFFF  }
0xb0: {  	[dreg:$0x0] =	wrdreg $0x60  }
0xb1: {  	[dreg:$0x2] =	wrdreg s2  }
0xb2: {  	[dreg:$0x3] =	wrdreg s19  }
0xb3: {  	[dreg:$0x4] =	wrdreg s4  }
0xb4: {  	[dreg:$0x5] =	wrdreg s5  }
0xb5: {  	[dreg:$0x6] =	wrdreg $0x9  }
0xb6: {  	_ =	task.clear_ibuf [dreg:s10], $0x7FFFF;
	_ =	strace $0x90000046  }
0xb7: {  	s29 =	simm.s32 $0x9;
	_ =	strace $0x80000048  }
0xb8: {  	_ =	swait.ge [sflag:s29], $0x1  }
0xb9: {  	[sflag:s29] =	ssyncadd.s32 $0xFFFFFFFF  }
0xba: {  	_ =	strace $0x90000048  }
0xbb: {  	_ =	sfence  }
0xbc: {  	s30 =	sld [smem:$0x0];
	_ =	sdelay $0x2  }
0xbd: {  	s31 =	sshll.u32 s1, $0xD;
	s1 =	sshrl.u32 s1, $0x2  }
0xbe: {  	s3 =	sand.u32 $0x4000, s31;
	s1 =	sadd.s32 s1, s30  }
0xbf: {  	s0 =	sor.u32 s3, s0;
	s1 =	sshll.u32 s1, $0x11  }
0xc0: {  	s0 =	sor.u32 s1, s0  }
0xc1: {  	s0 =	sadd.s32 $0x8F2B, s0  }
0xc2: {  	[sflag:s0] =	ssyncadd.remote.s32 $0x1  }
0xc3: {  	_ =	sfence.sel $0xFFFF  }
0xc4: {  	[dreg:$0x0] =	wrdreg $0xFFFFFFFF;
	(pc) =	sbr.abs _section_cstart, $3  }
0xc5: {  	[dreg:$0x1] =	wrdreg $0xFFFFFFFF  }
0xc6: {  	_ =	task.clear_ibuf [dreg:s10], $0x2FFFF;
	_ =	strace $0x9FFFFFFF  }
0xc7: {  	(tm) =	ssettm $0x7FFFFFFF  }
tec
execute0_lowered:
.L_overlay_start_1:
0x0: {  	(tag) =	ssettag $0x1  }
0x1: {  	s1 =	rddreg [dreg:$0x0]  }
0x2: {  	s2 =	rddreg [dreg:$0x1]  }
0x3: {  	s4 =	rddreg [dreg:$0x2]  }
0x4: {  	s5 =	rddreg [dreg:$0x3];
	s0 =	srdreg.scid  }
0x5: {  	s6 =	stileid.u32;
	s9 =	simm.s32 $0x8000;
	s10 =	simm.s32 $0x2  }
0x6: {  	v0 =	vlaneseq.u32;
	s11 =	simm.s32 $0x1;
	s12 =	simm.s32 $0x19020;
	s13 =	simm.s32 $0x1A020  }
0x7: {  	s14 =	simm.s32 $0x1D020;
	s15 =	simm.s32 $0x200;
	s16 =	simm.s32 $0x1B020;
	v2 =	vmul.u32 $0x10, v0  }
0x8: {  	v4 =	vimm.s32 $0xFFFFFFFF;
	s17 =	simm.s32 $0x1D220;
	s18 =	simm.s32 $0x1B220;
	s19 =	simm.s32 $0x1E020  }
0x9: {  	v5 =	vimm.s32 $0x0;
	s20 =	simm.s32 $0x1C020;
	s21 =	simm.s32 $0x1E820;
	s0 =	sand.u32 $0x1, s0;
	v6 =	vor.u32 $0x1, v2;
	v7 =	vor.u32 $0x2, v2  }
.Ltmp0:
0xa: {  	s22 =	simm.s32 $0x1C820;
	s3 =	ssub.s32 $0x2, s0;
	v8 =	vor.u32 $0x3, v2;
	v9 =	vor.u32 $0x4, v2;
	v10 =	vor.u32 $0x5, v2;
	(pc) =	sbr.rel .LBB2_1-.Ltmp0, $4  }
0xb: {  	s7 =	sshll.u32 s6, $0x10;
	s0 =	sshll.u32 s0, $0xF;
	s8 =	sshrl.u32 s3, $0x1;
	v11 =	vor.u32 $0x6, v2;
	v12 =	vor.u32 $0x7, v2;
	v13 =	vor.u32 $0x8, v2  }
0xc: {  	s6 =	simm.s32 $0x0;
	s7 =	sor.u32 s0, s7;
	v14 =	vor.u32 $0x9, v2;
	v15 =	vor.u32 $0xA, v2;
	v16 =	vor.u32 $0xB, v2;
	s30 =	ssub.s32 s3, s8  }
0xd: {  	[smem:$0x7FF] =	sst s6;
	v17 =	vor.u32 $0xC, v2;
	v18 =	vor.u32 $0xD, v2;
	v19 =	vor.u32 $0xE, v2;
	s31 =	sadd.s32 $0x8000, s7;
	s0 =	smax.u32 s30, $0x1  }
0xe: {  	s23 =	simm.s32 $0x0;
	_ =	strace $0x80000047;
	v20 =	vor.u32 $0xF, v2;
	v1 =	vmov s7;
	v3 =	vmov s31;
	[dreg:$0x5] =	wrdreg s0  }
.LBB2_50:
0xf: {  	s23 =	sadd.s32 $0x1, s23;
	s0 =	rddreg [dreg:$0x5]  }
0x10: {  	p0 =	sne.s32 s23, s0  }
.Ltmp1:
0x11: {  	_ = 	snop;
	(pc) =	sbr.rel @!p0 .LBB2_51-.Ltmp1, $1  }
0x12: {  	_ =	sdelay $0x3  }
.LBB2_1:
0x13: {  	s0 =	simm.s32 $0x40;
	s3 =	simm.s32 $0x0  }
.LBB2_2:
0x14: {  	p0 =	sne.s32 s0, $0x1FFC0;
	[tilespmem:s3+$0x0] =	vst v4;
	s3 =	smov.u32 s0;
	s0 =	sadd.s32 $0x40, s0  }
.Ltmp2:
0x15: {  	(pc) =	sbr.rel @p0 .LBB2_2-.Ltmp2, $2  }
0x16: {  	_ =	sdelay $0x2  }
0x17: {  	s3 =	sshra.s32 s3, $0x2  }
0x18: {  	[tilespmem:s3+$0x0] =	vst v4;
	s0 =	simm.s32 $0x0;
	s3 =	simm.s32 $0x0;
	s8 =	simm.s32 $0x0  }
.LBB2_4:
0x19: {  	s24 =	sshll.u32 s8, $0x9  }
0x1a: {  	s24 =	sadd.s32 s2, s24  }
0x1b: {  	[tilespmem:s9], [sflag:$0x2] =	stream.linear.gather [hbm4b:s24+s0], $0x1000, $0x38;
	[tilespmem:$0x1F020] =	vst v63  }
0x1c: {  	_ =	swait.ge [sflag:s10], $0x1000  }
0x1d: {  	[sflag:s10] =	ssyncset.done $0x0  }
0x1e: {  	s25 =	simm.s32 $0x0;
	s24 =	simm.s32 $0x8020;
	[sflag:s10] =	ssyncadd.s32 $0xFFFFF000  }
.LBB2_5:
0x1f: {  	v21 =	vld [tilespmem:s24+$0xFFFFFFE0];
	_ =	sdelay $0x4  }
0x20: {  	vm0 =	vge.s32 v21, v1;
	vm1 =	vlt.s32 v21, v3  }
0x21: {  	vm0 =	vmand vm0, vm1  }
0x22: {  	(xrf1) =	vunique.msk.u32 vm0, v21;
	_ =	sdelay $0xc  }
0x23: {  	v22 =	vsub.s32 v21, v1  }
0x24: {  	v22 =	vand.u32 $0xFFFFFFF8, v22;
	v21 =	vand.u32 $0x7, v21;
	_, v23, vm0 =	vpop (xrf1)  }
0x25: {  	v21 =	vor.u32 v21, v22;
	_ =	sdelay $0x2  }
0x26: {  	s26 =	sadd.s32 s25, s3  }
0x27: {  	v22 =	vor.u32 s26, v0  }
0x28: {  	[tilespmem:v21+s6+$0x0] =	vst.idx.msk vm0, v22  }
0x29: {  	v21 =	vld [tilespmem:s24+$0xFFFFFFF0];
	_ =	sdelay $0x4  }
0x2a: {  	vm10 =	vge.s32 v21, v1;
	vm11 =	vlt.s32 v21, v3  }
0x2b: {  	vm0 =	vmand vm10, vm11  }
0x2c: {  	(xrf1) =	vunique.msk.u32 vm0, v21;
	_ =	sdelay $0xc  }
0x2d: {  	v22 =	vsub.s32 v21, v1  }
0x2e: {  	v22 =	vand.u32 $0xFFFFFFF8, v22;
	v21 =	vand.u32 $0x7, v21;
	_, v23, vm0 =	vpop (xrf1)  }
0x2f: {  	v21 =	vor.u32 v21, v22;
	_ =	sdelay $0x2  }
0x30: {  	s28 =	sadd.s32 $0x10, s26  }
0x31: {  	v22 =	vor.u32 s28, v0  }
0x32: {  	[tilespmem:v21+s6+$0x0] =	vst.idx.msk vm0, v22  }
0x33: {  	v21 =	vld [tilespmem:s24+$0x0];
	_ =	sdelay $0x4  }
0x34: {  	vm12 =	vge.s32 v21, v1;
	vm13 =	vlt.s32 v21, v3  }
0x35: {  	vm0 =	vmand vm12, vm13  }
0x36: {  	(xrf1) =	vunique.msk.u32 vm0, v21;
	_ =	sdelay $0xc  }
0x37: {  	v22 =	vsub.s32 v21, v1  }
0x38: {  	v22 =	vand.u32 $0xFFFFFFF8, v22;
	v21 =	vand.u32 $0x7, v21;
	_, v23, vm0 =	vpop (xrf1)  }
0x39: {  	v21 =	vor.u32 v21, v22;
	_ =	sdelay $0x2  }
0x3a: {  	s31 =	sadd.s32 $0x20, s26  }
0x3b: {  	v22 =	vor.u32 s31, v0  }
0x3c: {  	[tilespmem:v21+s6+$0x0] =	vst.idx.msk vm0, v22  }
0x3d: {  	v21 =	vld [tilespmem:s24+$0x10];
	_ =	sdelay $0x4  }
0x3e: {  	vm14 =	vge.s32 v21, v1;
	vm15 =	vlt.s32 v21, v3  }
0x3f: {  	vm0 =	vmand vm14, vm15  }
0x40: {  	(xrf1) =	vunique.msk.u32 vm0, v21;
	_ =	sdelay $0xc  }
0x41: {  	v22 =	vsub.s32 v21, v1  }
0x42: {  	v22 =	vand.u32 $0xFFFFFFF8, v22;
	v21 =	vand.u32 $0x7, v21;
	_, v23, vm0 =	vpop (xrf1)  }
0x43: {  	p0 =	sne.s32 s25, $0xFC0;
	v21 =	vor.u32 v21, v22  }
.Ltmp3:
0x44: {  	_ = 	snop;
	(pc) =	sbr.rel @p0 .LBB2_5-.Ltmp3, $4  }
0x45: {  	_ = 	snop  }
0x46: {  	s26 =	sadd.s32 $0x30, s26  }
0x47: {  	v22 =	vor.u32 s26, v0  }
0x48: {  	s25 =	sadd.s32 $0x40, s25;
	s24 =	sadd.s32 $0x40, s24;
	[tilespmem:v21+s6+$0x0] =	vst.idx.msk vm0, v22  }
0x49: {  	s8 =	sadd.s32 $0x1, s8  }
0x4a: {  	p0 =	sne.s32 s8, $0x40  }
.Ltmp4:
0x4b: {  	_ = 	snop;
	(pc) =	sbr.rel @p0 .LBB2_4-.Ltmp4, $2  }
0x4c: {  	_ =	sdelay $0x2  }
0x4d: {  	s3 =	sadd.s32 $0x1000, s3  }
0x4e: {  	s24 =	simm.s32 $0x0  }
0x4f: {  	v21 =	vld [tilespmem:s24+$0x0];
	_ =	sdelay $0x4  }
0x50: {  	vm0 =	vgt.s32 v21, $0xFFFFFFFF  }
0x51: {  	v22 =	vsel vm0, $0x1, v5  }
0x52: {  	(xrf0) =	vadd.scan.msk.s32 $0xffff, v22;
	_ =	sdelay $0x5  }
0x53: {  	v23, _, _ =	vpop (xrf0)  }
0x54: {  	v22 =	vor.u32 s7, v0;
	(v2sf) =	vpush v23, $0xF  }
0x55: {  	s0 =	simm.s32 $0x1;
	s3 =	simm.s32 $0x2;
	s25 =	simm.s32 $0x10;
	[tilespmem:s24+$0x9000] =	vst.msk vm0, v22  }
0x56: {  	s26 =	smov.u32 s7;
	s8 =	simm.s32 $0x0;
	[smem:$0x0] =	sst s24;
	[tilespmem:s24+$0x11010] =	vst.msk vm0, v21  }
.LBB2_8:
0x57: {  	v21 =	vld [tilespmem:s25+$0x0];
	s28 =	smov.u32 s3;
	s3 =	sadd.s32 $0x1, s3  }
0x58: {  	p0 =	sne.s32 s3, $0x801;
	_ =	sdelay $0x3  }
0x59: {  	vm0 =	vgt.s32 v21, $0xFFFFFFFF  }
0x5a: {  	v22 =	vsel vm0, $0x1, v5  }
0x5b: {  	(xrf0) =	vadd.scan.msk.s32 $0xffff, v22;
	_ =	sdelay $0x3  }
0x5c: {  	s29 =	sand.u32 $0x1F, s0;
	s26 =	sadd.s32 $0x10, s26  }
.Ltmp5:
0x5d: {  	p1 =	sne.s32 s29, $0x0;
	s29 =	spop (v2sf);
	(pc) =	sbr.rel @p0 .LBB2_8-.Ltmp5, $4  }
0x5e: {  	v22 =	vor.u32 s26, v0;
	v23, _, _ =	vpop (xrf0);
	s8 =	sadd.s32 s8, s29;
	s29 =	sshrl.u32 @!p1 s0, $0x5;
	s0 =	smov.u32 s28  }
0x5f: {  	[tilespmem:s8+$0x9000] =	vst.msk vm0, v22;
	(v2sf) =	vpush v23, $0xF;
	[smem:s29] =	sst @!p1 s8  }
0x60: {  	[tilespmem:s8+$0x11010] =	vst.msk vm0, v21  }
0x61: {  	s25 =	sadd.s32 $0x10, s25  }
0x62: {  	_ =	sdelay $0x9  }
.Ltmp6:
0x63: {  	_ = 	snop;
	(pc) =	sbr.rel .LBB2_10-.Ltmp6, $4  }
0x64: {  	s3 =	sand.u32 $0x1F, s0  }
0x65: {  	p0 =	sne.s32 s3, $0x0;
	s31 =	spop (v2sf)  }
0x66: {  	s0 =	sshrl.u32 @!p0 s0, $0x5;
	s3 =	sadd.s32 s8, s31  }
0x67: {  	[smem:s0] =	sst @!p0 s3  }
.LBB2_48:
0x68: {  	_ =	sdelay $0x4  }
0x69: {  	[tilespmem:v24+s12+$0x0] =	vst.idx.msk vm0, v23  }
.LBB2_49:
0x6a: {  	s0 =	sadd.s32 s5, s25  }
0x6b: {  	[hbm4b:s0+s6] =	stream.linear.scatter [tilespmem:s12], [sflag:$0x1], $0x1000, $0x38;
	[tilespmem:$0x1F020] =	vst v63  }
0x6c: {  	s31 =	sadd.s32 s5, s26;
	s24 =	sadd.s32 $0x1, s24  }
0x6d: {  	[hbm4b:s31+s6] =	stream.linear.scatter [tilespmem:s13], [sflag:$0x1], $0x1000, $0x38;
	[tilespmem:$0x1F020] =	vst v63  }
0x6e: {  	p0 =	sne.s32 s24, $0x40;
	_ =	swait.ge [sflag:s11], $0x1000  }
.Ltmp7:
0x6f: {  	[sflag:s11] =	ssyncset.done $0x0;
	(pc) =	sbr.rel @!p0 .LBB2_50-.Ltmp7, $4  }
0x70: {  	[sflag:s11] =	ssyncadd.s32 $0xFFFFF000  }
0x71: {  	_ =	swait.ge [sflag:s11], $0x1000  }
0x72: {  	[sflag:s11] =	ssyncset.done $0x0  }
0x73: {  	[sflag:s11] =	ssyncadd.s32 $0xFFFFF000  }
.LBB2_10:
0x74: {  	s0 =	sshll.u32 s24, $0x9;
	s8 =	sld [smem:s24+$0x0]  }
0x75: {  	s25 =	sadd.s32 s7, s0;
	s0 =	sld [smem:s24+$0x1]  }
0x76: {  	s3 =	sadd.s32 s1, s25;
	s26 =	sor.u32 $0x100000, s25  }
0x77: {  	[tilespmem:s12], [sflag:$0x1] =	stream.linear.gather [hbm4b:s3+s6], $0x1000, $0x38;
	[tilespmem:$0x1F020] =	vst v63  }
0x78: {  	s28 =	sadd.s32 s1, s26;
	s29 =	ssub.s32 s0, s8  }
0x79: {  	[tilespmem:s13], [sflag:$0x1] =	stream.linear.gather [hbm4b:s28+s6], $0x1000, $0x38;
	[tilespmem:$0x1F020] =	vst v63  }
0x7a: {  	s3 =	sadd.s32 $0x1F, s29  }
0x7b: {  	s28 =	sand.u32 $0x1F, s3  }
0x7c: {  	s31 =	sshra.s32 s3, $0x1F;
	p1 =	slt.s32 s3, $0x1;
	p0 =	sne.s32 s28, $0x0  }
0x7d: {  	s28 =	sshrl.u32 s31, $0x1B;
	p0 =	por !p1, !p0  }
0x7e: {  	s3 =	sadd.s32 s28, s3;
	s28 =	simm.s32 $0x1;
	p0 =	por !p0, !p0  }
0x7f: {  	s3 =	sshra.s32 s3, $0x5;
	s28 =	simm.s32 @!p0 $0x0  }
0x80: {  	s3 =	ssub.s32 s3, s28  }
0x81: {  	_ =	swait.ge [sflag:s11], $0x1000;
	p0 =	slt.s32 s3, $0x1  }
.Ltmp8:
0x82: {  	[sflag:s11] =	ssyncset.done $0x0;
	(pc) =	sbr.rel @p0 .LBB2_14-.Ltmp8, $4  }
0x83: {  	[sflag:s11] =	ssyncadd.s32 $0xFFFFF000  }
0x84: {  	_ =	swait.ge [sflag:s11], $0x1000  }
0x85: {  	s31 =	sshll.u32 s8, $0x2;
	[sflag:s11] =	ssyncset.done $0x0  }
0x86: {  	v21 =	vmov s0;
	s30 =	sshra.s32 s31, $0x2;
	[sflag:s11] =	ssyncadd.s32 $0xFFFFF000  }
0x87: {  	s31 =	sadd.s32 $0x11010, s30  }
0x88: {  	v22 =	vld [tilespmem:s31+$0x0];
	_ =	sdelay $0x2  }
0x89: {  	s0 =	simm.s32 $0x0;
	v23 =	vadd.s32 s8, v0  }
0x8a: {  	vm0 =	vlt.s32 v23, v21;
	v23 =	vor.u32 s0, v2  }
0x8b: {  	v24 =	vor.u32 s0, v6;
	v22 =	vnsel vm0, $0x0, v22  }
0x8c: {  	v26 =	vor.u32 s0, v7;
	v25 =	vshll.u32 v22, $0x3  }
0x8d: {  	v27 =	vor.u32 s0, v8;
	v22 =	vand.u32 $0x7F, v22;
	v25 =	vand.u32 $0xFFFFFC00, v25  }
0x8e: {  	v25 =	vor.u32 v22, v25;
	v22 =	vor.u32 s0, v9  }
0x8f: {  	v28 =	vor.u32 s0, v10;
	[tilespmem:v23+s14+$0x0] =	vst.idx.msk $0xffff, v25;
	v23 =	vor.u32 $0x80, v25  }
0x90: {  	v56 =	vor.u32 s0, v11;
	[tilespmem:v24+s14+$0x0] =	vst.idx.msk $0xffff, v23;
	v23 =	vor.u32 $0x100, v25  }
0x91: {  	v57 =	vor.u32 s0, v12;
	[tilespmem:v26+s14+$0x0] =	vst.idx.msk $0xffff, v23;
	v23 =	vor.u32 $0x180, v25  }
0x92: {  	v58 =	vor.u32 s0, v13;
	[tilespmem:v27+s14+$0x0] =	vst.idx.msk $0xffff, v23;
	v23 =	vor.u32 $0x200, v25  }
0x93: {  	[tilespmem:v22+s14+$0x0] =	vst.idx.msk $0xffff, v23;
	v22 =	vor.u32 $0x280, v25;
	v23 =	vor.u32 s0, v14  }
0x94: {  	v59 =	vor.u32 s0, v15;
	[tilespmem:v28+s14+$0x0] =	vst.idx.msk $0xffff, v22;
	v22 =	vor.u32 $0x300, v25  }
0x95: {  	v60 =	vor.u32 s0, v16;
	[tilespmem:v56+s14+$0x0] =	vst.idx.msk $0xffff, v22;
	v22 =	vor.u32 $0x380, v25  }
0x96: {  	v61 =	vor.u32 s0, v17;
	[tilespmem:v57+s14+$0x0] =	vst.idx.msk $0xffff, v22;
	v22 =	vadd.s32 $0x200000, v25  }
0x97: {  	v62 =	vor.u32 s0, v18;
	[tilespmem:v58+s14+$0x0] =	vst.idx.msk $0xffff, v22;
	v22 =	vadd.s32 $0x200080, v25  }
0x98: {  	[tilespmem:v23+s14+$0x0] =	vst.idx.msk $0xffff, v22;
	v22 =	vadd.s32 $0x200100, v25  }
0x99: {  	[tilespmem:v59+s14+$0x0] =	vst.idx.msk $0xffff, v22;
	v22 =	vadd.s32 $0x200180, v25  }
0x9a: {  	s3 =	sshll.u32 s3, $0x1;
	[tilespmem:v60+s14+$0x0] =	vst.idx.msk $0xffff, v22;
	v22 =	vadd.s32 $0x200200, v25  }
0x9b: {  	p0 =	sne.s32 s3, $0x1;
	v23 =	vor.u32 s0, v19;
	[tilespmem:v61+s14+$0x0] =	vst.idx.msk $0xffff, v22;
	v22 =	vadd.s32 $0x200280, v25  }
.Ltmp9:
0x9c: {  	[tilespmem:v62+s14+$0x0] =	vst.idx.msk $0xffff, v22;
	v22 =	vor.u32 s0, v20;
	(pc) =	sbr.rel @!p0 .LBB2_13-.Ltmp9, $3  }
0x9d: {  	_ =	sdelay $0x1  }
0x9e: {  	v63 =	vadd.s32 $0x200300, v25  }
0x9f: {  	s28 =	smov.u32 s8;
	s3 =	sadd.s32 $0xFFFFFFFF, s3;
	[tilespmem:v23+s14+$0x0] =	vst.idx.msk $0xffff, v63;
	v23 =	vadd.s32 $0x200380, v25  }
.LBB2_12:
0xa0: {  	[tilespmem:v22+s14+$0x0] =	vst.idx.msk $0xffff, v23;
	s0 =	sadd.s32 $0x100, s0;
	s31 =	sadd.s32 $0x10, s31;
	s28 =	sadd.s32 $0x10, s28  }
0xa1: {  	p0 =	sne.s32 s3, $0x1;
	s3 =	sadd.s32 $0xFFFFFFFF, s3;
	v22 =	vld [tilespmem:s31+$0x0];
	_ =	sdelay $0x2  }
0xa2: {  	v23 =	vadd.s32 s28, v0  }
0xa3: {  	vm0 =	vlt.s32 v23, v21;
	v23 =	vor.u32 s0, v2  }
0xa4: {  	v24 =	vor.u32 s0, v6;
	v22 =	vnsel vm0, $0x0, v22  }
0xa5: {  	v26 =	vor.u32 s0, v7;
	v25 =	vshll.u32 v22, $0x3  }
0xa6: {  	v27 =	vor.u32 s0, v8;
	v22 =	vand.u32 $0x7F, v22;
	v25 =	vand.u32 $0xFFFFFC00, v25  }
0xa7: {  	v25 =	vor.u32 v22, v25;
	v22 =	vor.u32 s0, v9  }
0xa8: {  	v28 =	vor.u32 s0, v10;
	[tilespmem:v23+s14+$0x0] =	vst.idx.msk $0xffff, v25;
	v23 =	vor.u32 $0x80, v25  }
0xa9: {  	[tilespmem:v24+s14+$0x0] =	vst.idx.msk $0xffff, v23;
	v23 =	vor.u32 $0x100, v25;
	v24 =	vor.u32 s0, v11  }
0xaa: {  	[tilespmem:v26+s14+$0x0] =	vst.idx.msk $0xffff, v23;
	v23 =	vor.u32 $0x180, v25;
	v26 =	vor.u32 s0, v12  }
0xab: {  	[tilespmem:v27+s14+$0x0] =	vst.idx.msk $0xffff, v23;
	v23 =	vor.u32 $0x200, v25;
	v27 =	vor.u32 s0, v13  }
0xac: {  	[tilespmem:v22+s14+$0x0] =	vst.idx.msk $0xffff, v23;
	v22 =	vor.u32 $0x280, v25;
	v23 =	vor.u32 s0, v14  }
0xad: {  	[tilespmem:v28+s14+$0x0] =	vst.idx.msk $0xffff, v22;
	v22 =	vor.u32 $0x300, v25;
	v28 =	vor.u32 s0, v15  }
0xae: {  	[tilespmem:v24+s14+$0x0] =	vst.idx.msk $0xffff, v22;
	v22 =	vor.u32 $0x380, v25;
	v24 =	vor.u32 s0, v16  }
0xaf: {  	[tilespmem:v26+s14+$0x0] =	vst.idx.msk $0xffff, v22;
	v22 =	vadd.s32 $0x200000, v25;
	v26 =	vor.u32 s0, v17  }
0xb0: {  	[tilespmem:v27+s14+$0x0] =	vst.idx.msk $0xffff, v22;
	v22 =	vadd.s32 $0x200080, v25;
	v27 =	vor.u32 s0, v18  }
0xb1: {  	[tilespmem:v23+s14+$0x0] =	vst.idx.msk $0xffff, v22;
	v22 =	vadd.s32 $0x200100, v25;
	v23 =	vor.u32 s0, v19  }
.Ltmp10:
0xb2: {  	[tilespmem:v28+s14+$0x0] =	vst.idx.msk $0xffff, v22;
	v28 =	vadd.s32 $0x200180, v25;
	v22 =	vor.u32 s0, v20;
	(pc) =	sbr.rel @p0 .LBB2_12-.Ltmp10, $4  }
0xb3: {  	[tilespmem:v24+s14+$0x0] =	vst.idx.msk $0xffff, v28;
	v24 =	vadd.s32 $0x200200, v25  }
0xb4: {  	[tilespmem:v26+s14+$0x0] =	vst.idx.msk $0xffff, v24;
	v24 =	vadd.s32 $0x200280, v25  }
0xb5: {  	[tilespmem:v27+s14+$0x0] =	vst.idx.msk $0xffff, v24;
	v24 =	vadd.s32 $0x200300, v25  }
0xb6: {  	[tilespmem:v23+s14+$0x0] =	vst.idx.msk $0xffff, v24;
	v23 =	vadd.s32 $0x200380, v25  }
.LBB2_13:
0xb7: {  	_ =	sdelay $0x3  }
0xb8: {  	[tilespmem:v22+s14+$0x0] =	vst.idx.msk $0xffff, v23  }
.LBB2_14:
0xb9: {  	p0 =	slt.s32 s29, $0x1  }
.Ltmp11:
0xba: {  	_ = 	snop;
	(pc) =	sbr.rel @p0 .LBB2_45-.Ltmp11, $1  }
0xbb: {  	_ =	sdelay $0x3  }
0xbc: {  	p0 =	slt.u32 s29, $0x21  }
.Ltmp12:
0xbd: {  	_ = 	snop;
	(pc) =	sbr.rel @p0 .LBB2_44-.Ltmp12, $2  }
0xbe: {  	_ =	sdelay $0x2  }
0xbf: {  	[tilespmem:s16], [sflag:$0x1] =	stream.indirect.gather [hbm4b:s4+s15], $0x1, s14, s15, $0xb8;
	[tilespmem:$0x1F020] =	vst v63  }
0xc0: {  	[tilespmem:s18], [sflag:$0x1] =	stream.indirect.gather [hbm4b:s4+s15], $0x1, s17, s15, $0xb8;
	[tilespmem:$0x1F020] =	vst v63  }
0xc1: {  	p3 =	slt.u32 s29, $0x41  }
0xc2: {  	s0 =	simm.s32 @!p3 $0x200  }
0xc3: {  	s3 =	simm.s32 @!p3 $0x1D420;
	s28 =	simm.s32 @!p3 $0x1B420;
	p0 =	slt.u32 @!p3 s29, $0x61  }
0xc4: {  	[tilespmem:s28], [sflag:$0x1] =	stream.indirect.gather @!p3 [hbm4b:s4+s0], $0x1, s3, s0, $0xb8;
	[tilespmem:$0x1F020] =	vst v63  }
0xc5: {  	p1 =	por p3, p0  }
0xc6: {  	s0 =	simm.s32 @!p1 $0x200  }
0xc7: {  	s3 =	simm.s32 @!p1 $0x1D620;
	s28 =	simm.s32 @!p1 $0x1B620;
	p0 =	slt.u32 @!p1 s29, $0x81  }
0xc8: {  	[tilespmem:s28], [sflag:$0x1] =	stream.indirect.gather @!p1 [hbm4b:s4+s0], $0x1, s3, s0, $0xb8;
	[tilespmem:$0x1F020] =	vst v63  }
0xc9: {  	p0 =	por p1, p0  }
0xca: {  	s0 =	simm.s32 @!p0 $0x200  }
0xcb: {  	s3 =	simm.s32 @!p0 $0x1D820;
	s28 =	simm.s32 @!p0 $0x1B820;
	p2 =	slt.u32 @!p0 s29, $0xA1  }
0xcc: {  	[tilespmem:s28], [sflag:$0x1] =	stream.indirect.gather @!p0 [hbm4b:s4+s0], $0x1, s3, s0, $0xb8;
	[tilespmem:$0x1F020] =	vst v63  }
0xcd: {  	p4 =	por p0, p2  }
0xce: {  	s0 =	simm.s32 @!p4 $0x200  }
0xcf: {  	s3 =	simm.s32 @!p4 $0x1DA20;
	s28 =	simm.s32 @!p4 $0x1BA20;
	p2 =	slt.u32 @!p4 s29, $0xC1  }
0xd0: {  	[tilespmem:s28], [sflag:$0x1] =	stream.indirect.gather @!p4 [hbm4b:s4+s0], $0x1, s3, s0, $0xb8;
	[tilespmem:$0x1F020] =	vst v63  }
0xd1: {  	p6 =	por p4, p2  }
0xd2: {  	p2 =	slt.u32 @!p6 s29, $0xE1  }
0xd3: {  	p5 =	por p6, p2  }
0xd4: {  	p2 =	slt.u32 @!p5 s29, $0x101  }
0xd5: {  	p2 =	por p5, p2  }
.Ltmp13:
0xd6: {  	_ = 	snop;
	(pc) =	sbr.rel @p2 .LBB2_27-.Ltmp13, $4  }
0xd7: {  	s0 =	simm.s32 @!p6 $0x200;
	s3 =	simm.s32 @!p6 $0x1DC20;
	s28 =	simm.s32 @!p6 $0x1BC20  }
0xd8: {  	[tilespmem:s28], [sflag:$0x1] =	stream.indirect.gather @!p6 [hbm4b:s4+s0], $0x1, s3, s0, $0xb8;
	[tilespmem:$0x1F020] =	vst v63  }
0xd9: {  	s0 =	simm.s32 @!p5 $0x200;
	s3 =	simm.s32 @!p5 $0x1DE20;
	s28 =	simm.s32 @!p5 $0x1BE20  }
0xda: {  	[tilespmem:s28], [sflag:$0x1] =	stream.indirect.gather @!p5 [hbm4b:s4+s0], $0x1, s3, s0, $0xb8;
	[tilespmem:$0x1F020] =	vst v63  }
0xdb: {  	[tilespmem:s20], [sflag:$0x1] =	stream.indirect.gather [hbm4b:s4+s15], $0x1, s19, s15, $0xb8;
	[tilespmem:$0x1F020] =	vst v63  }
0xdc: {  	p0 =	slt.u32 s29, $0x121  }
0xdd: {  	s0 =	simm.s32 @!p0 $0x200  }
0xde: {  	s3 =	simm.s32 @!p0 $0x1E220;
	s28 =	simm.s32 @!p0 $0x1C220;
	p1 =	slt.u32 @!p0 s29, $0x141  }
0xdf: {  	[tilespmem:s28], [sflag:$0x1] =	stream.indirect.gather @!p0 [hbm4b:s4+s0], $0x1, s3, s0, $0xb8;
	[tilespmem:$0x1F020] =	vst v63  }
0xe0: {  	p1 =	por p0, p1  }
0xe1: {  	p2 =	slt.u32 @!p1 s29, $0x161  }
0xe2: {  	p6 =	por p1, p2  }
0xe3: {  	p2 =	slt.u32 @!p6 s29, $0x181  }
0xe4: {  	p2 =	por p6, p2  }
.Ltmp14:
0xe5: {  	_ = 	snop;
	(pc) =	sbr.rel @p2 .LBB2_18-.Ltmp14, $4  }
0xe6: {  	s0 =	simm.s32 @!p1 $0x200;
	s3 =	simm.s32 @!p1 $0x1E420;
	s28 =	simm.s32 @!p1 $0x1C420  }
0xe7: {  	[tilespmem:s28], [sflag:$0x1] =	stream.indirect.gather @!p1 [hbm4b:s4+s0], $0x1, s3, s0, $0xb8;
	[tilespmem:$0x1F020] =	vst v63  }
0xe8: {  	s0 =	simm.s32 @!p6 $0x200;
	s3 =	simm.s32 @!p6 $0x1E620;
	s28 =	simm.s32 @!p6 $0x1C620  }
0xe9: {  	[tilespmem:s28], [sflag:$0x1] =	stream.indirect.gather @!p6 [hbm4b:s4+s0], $0x1, s3, s0, $0xb8;
	[tilespmem:$0x1F020] =	vst v63  }
0xea: {  	[tilespmem:s22], [sflag:$0x1] =	stream.indirect.gather [hbm4b:s4+s15], $0x1, s21, s15, $0xb8;
	[tilespmem:$0x1F020] =	vst v63  }
0xeb: {  	p6 =	slt.u32 s29, $0x1A1  }
0xec: {  	s0 =	simm.s32 @!p6 $0x200  }
0xed: {  	s3 =	simm.s32 @!p6 $0x1EA20;
	s28 =	simm.s32 @!p6 $0x1CA20;
	p0 =	slt.u32 @!p6 s29, $0x1C1  }
0xee: {  	[tilespmem:s28], [sflag:$0x1] =	stream.indirect.gather @!p6 [hbm4b:s4+s0], $0x1, s3, s0, $0xb8;
	[tilespmem:$0x1F020] =	vst v63  }
0xef: {  	p2 =	por p0, p6  }
0xf0: {  	s0 =	simm.s32 @!p2 $0x200  }
0xf1: {  	s3 =	simm.s32 @!p2 $0x1EC20;
	s28 =	simm.s32 @!p2 $0x1CC20;
	p1 =	slt.u32 @!p2 s29, $0x1E1  }
0xf2: {  	[tilespmem:s28], [sflag:$0x1] =	stream.indirect.gather @!p2 [hbm4b:s4+s0], $0x1, s3, s0, $0xb8;
	[tilespmem:$0x1F020] =	vst v63  }
0xf3: {  	p3 =	por @!p6 p1, p0;
	p4 =	por @!p6 !p1, p0  }
0xf4: {  	p1 =	por @!p2 $0x1, $0x1;
	p2 =	por @!p2 $0x0, $0x0;
	p3 =	por p3, p6  }
0xf5: {  	p0 =	por !p0, p6;
	p4 =	por !p4, p6;
	s0 =	simm.s32 @!p3 $0x200  }
0xf6: {  	s3 =	simm.s32 @!p3 $0x1EE20;
	s28 =	simm.s32 @!p3 $0x1CE20;
	p5 =	por @!p3 $0x1, $0x1  }
0xf7: {  	[tilespmem:s28], [sflag:$0x1] =	stream.indirect.gather @!p3 [hbm4b:s4+s0], $0x1, s3, s0, $0xb8;
	[tilespmem:$0x1F020] =	vst v63  }
0xf8: {  	p1 =	por @!p4 p5, p5;
	p2 =	por @!p4 p5, p5;
	p4 =	por @!p6 $0x1, $0x1  }
0xf9: {  	p5 =	por @!p6 $0x0, $0x0;
	p3 =	por p1, p1;
	p1 =	por @!p0 p4, p4  }
0xfa: {  	p2 =	por @!p0 p5, p5;
	p3 =	por @!p0 p5, p5;
	p0 =	por $0x0, $0x0  }
0xfb: {  	p0 =	por @!p6 p3, p3  }
0xfc: {  	p4 =	por $0x1, $0x1;
	s0 =	simm.s32 @!p0 $0x0  }
.Ltmp15:
0xfd: {  	s0 =	simm.s32 @p0 $0x1;
	p0 =	por $0x1, $0x1;
	(pc) =	sbr.rel .LBB2_20-.Ltmp15, $4  }
0xfe: {  	p4 =	por @!p6 p1, p1;
	p5 =	por $0x1, $0x1;
	p0 =	por @!p6 p1, p1  }
0xff: {  	p5 =	por @!p6 p1, p1;
	[smem:$0x7FC] =	sst s0;
	s0 =	simm.s32 @!p0 $0x0  }
0x100: {  	p3 =	por $0x0, $0x0;
	s0 =	simm.s32 @p0 $0x1;
	p0 =	por $0x0, $0x0  }
0x101: {  	p3 =	por @!p6 p1, p1;
	[smem:$0x7FD] =	sst s0;
	p0 =	por @!p6 p2, p2  }
.LBB2_27:
0x102: {  	p2 =	por @!p3 $0x0, $0x0  }
0x103: {  	s0 =	simm.s32 @!p2 $0x0  }
0x104: {  	s0 =	simm.s32 @p2 $0x1  }
0x105: {  	[smem:$0x7F4] =	sst s0;
	s0 =	simm.s32 @!p3 $0x0  }
0x106: {  	p2 =	por $0x0, $0x0;
	s0 =	simm.s32 @p3 $0x1;
	s31 =	sld [smem:$0x7F4]  }
0x107: {  	[smem:$0x7FB] =	sst s0;
	s0 =	simm.s32 @!p2 $0x0  }
0x108: {  	s0 =	simm.s32 @p2 $0x1;
	s3 =	sld [smem:$0x7FB]  }
0x109: {  	[smem:$0x7F5] =	sst s0  }
0x10a: {  	s28 =	sld [smem:$0x7F5];
	_ =	sdelay $0x1  }
0x10b: {  	p2 =	seq.s32 s31, $0x1;
	s0 =	simm.s32 @!p5 $0x0  }
0x10c: {  	s0 =	simm.s32 @p5 $0x1;
	p3 =	seq.s32 s3, $0x1;
	p5 =	seq.s32 s28, $0x1  }
0x10d: {  	p5 =	por @!p3 p2, p2  }
0x10e: {  	[smem:$0x7F8] =	sst s0;
	s0 =	simm.s32 @!p5 $0x0  }
0x10f: {  	s0 =	simm.s32 @p5 $0x1  }
0x110: {  	[smem:$0x7F5] =	sst s0  }
0x111: {  	s0 =	sld [smem:$0x7F5];
	_ =	sdelay $0x2  }
0x112: {  	p3 =	seq.s32 s0, $0x1  }
0x113: {  	p5 =	por @!p1 $0x0, $0x0;
	p2 =	por p3, p3  }
0x114: {  	p2 =	por @!p1 p5, p5  }
0x115: {  	s0 =	simm.s32 @!p2 $0x0  }
0x116: {  	s0 =	simm.s32 @p2 $0x1  }
0x117: {  	[smem:$0x7F9] =	sst s0  }
0x118: {  	s0 =	sld [smem:$0x7F9];
	_ =	sdelay $0x1  }
0x119: {  	p2 =	por @!p1 $0x1, $0x1  }
0x11a: {  	p3 =	por @!p1 p2, p2;
	p2 =	seq.s32 s0, $0x1  }
0x11b: {  	p5 =	por @!p0 $0x0, $0x0;
	p1 =	por p2, p2  }
0x11c: {  	p1 =	por @!p0 p5, p5  }
0x11d: {  	p5 =	por p1, p1;
	p1 =	por @!p0 $0x1, $0x1  }
0x11e: {  	p2 =	por @!p0 p1, p1  }
0x11f: {  	s0 =	simm.s32 @!p2 $0x0  }
0x120: {  	s0 =	simm.s32 @p2 $0x1;
	p2 =	por @!p0 $0x1, $0x1  }
0x121: {  	[smem:$0x7F9] =	sst s0;
	p3 =	por @!p0 p2, p2  }
0x122: {  	p2 =	por @!p4 $0x0, $0x0;
	p0 =	por p5, p5;
	s31 =	sld [smem:$0x7F9]  }
0x123: {  	p0 =	por @!p4 p2, p2  }
0x124: {  	p1 =	por p5, p5;
	s0 =	simm.s32 @!p0 $0x0  }
0x125: {  	p2 =	por @!p4 $0x1, $0x1;
	s0 =	simm.s32 @p0 $0x1;
	p0 =	seq.s32 s31, $0x1  }
0x126: {  	[smem:$0x7F6] =	sst s0;
	p0 =	por @!p4 p2, p2;
	p2 =	por @!p4 $0x1, $0x1  }
0x127: {  	s3 =	sld [smem:$0x7F6];
	p3 =	por @!p4 p2, p2;
	p2 =	por @!p4 $0x1, $0x1  }
0x128: {  	p1 =	por @!p4 p2, p2  }
0x129: {  	s0 =	simm.s32 @!p1 $0x0  }
0x12a: {  	p2 =	seq.s32 s3, $0x1;
	s0 =	simm.s32 @p1 $0x1  }
0x12b: {  	[smem:$0x7F7] =	sst s0;
	s0 =	simm.s32 @!p2 $0x0  }
0x12c: {  	s0 =	simm.s32 @p2 $0x1  }
0x12d: {  	[smem:$0x7FA] =	sst s0  }
0x12e: {  	s0 =	sld [smem:$0x7FA];
	_ =	sdelay $0x2  }
0x12f: {  	p4 =	por @!p6 $0x1, $0x1;
	p1 =	seq.s32 s0, $0x1  }
0x130: {  	p1 =	por @!p6 p4, p4  }
0x131: {  	p4 =	por @!p6 $0x1, $0x1;
	s0 =	simm.s32 @!p1 $0x0  }
0x132: {  	p0 =	por @!p6 p4, p4;
	s0 =	simm.s32 @p1 $0x1  }
0x133: {  	[smem:$0x7FA] =	sst s0;
	s0 =	simm.s32 @!p0 $0x0  }
0x134: {  	s0 =	simm.s32 @p0 $0x1  }
0x135: {  	[smem:$0x7F9] =	sst s0  }
0x136: {  	_ =	swait.ge [sflag:s11], $0x200  }
0x137: {  	s28 =	sld [smem:$0x7F7]  }
0x138: {  	s31 =	sld [smem:$0x7F8]  }
0x139: {  	p4 =	por @!p6 $0x0, $0x0;
	s3 =	sld [smem:$0x7FA]  }
0x13a: {  	p2 =	por @!p6 p4, p4;
	p0 =	por @!p6 $0x1, $0x1  }
0x13b: {  	p3 =	por @!p6 p0, p0;
	p1 =	seq.s32 s28, $0x1;
	p5 =	seq.s32 s31, $0x1  }
0x13c: {  	p4 =	seq.s32 s3, $0x1;
	p1 =	por @!p6 p0, p0;
	p0 =	por @!p5 $0x1, $0x1  }
0x13d: {  	p4 =	por @!p5 p0, p0  }
0x13e: {  	s0 =	simm.s32 @!p4 $0x0  }
0x13f: {  	[sflag:s11] =	ssyncset.done $0x0;
	s0 =	simm.s32 @p4 $0x1  }
0x140: {  	[sflag:s11] =	ssyncadd.s32 $0xFFFFFE00;
	[smem:$0x7FA] =	sst s0  }
0x141: {  	s28 =	sld [smem:$0x7F9];
	_ =	swait.ge [sflag:s11], $0x200  }
0x142: {  	s31 =	sld [smem:$0x7FB];
	_ =	sdelay $0x2  }
0x143: {  	p4 =	seq.s32 s31, $0x1  }
.Ltmp16:
0x144: {  	_ = 	snop;
	(pc) =	sbr.rel @p4 .LBB2_33-.Ltmp16, $4  }
0x145: {  	_ = 	snop  }
0x146: {  	p3 =	por @!p5 p0, p0  }
0x147: {  	p1 =	por @!p5 p0, p0;
	p6 =	seq.s32 s28, $0x1;
	[sflag:s11] =	ssyncset.done $0x0  }
0x148: {  	p2 =	por @!p5 p0, p0;
	p6 =	por @!p5 p0, p0;
	[sflag:s11] =	ssyncadd.s32 $0xFFFFFE00  }
.Ltmp17:
0x149: {  	(pc) =	sbr.rel @p3 .LBB2_34-.Ltmp17, $4  }
0x14a: {  	_ = 	snop  }
0x14b: {  	_ =	swait.ge [sflag:s11], $0x200  }
0x14c: {  	[sflag:s11] =	ssyncset.done $0x0  }
0x14d: {  	[sflag:s11] =	ssyncadd.s32 $0xFFFFFE00  }
.LBB2_29:
.Ltmp18:
0x14e: {  	(pc) =	sbr.rel @!p6 .LBB2_30-.Ltmp18, $1  }
0x14f: {  	_ =	sdelay $0x3  }
.LBB2_35:
.Ltmp19:
0x150: {  	(pc) =	sbr.rel @p1 .LBB2_36-.Ltmp19, $4  }
0x151: {  	_ = 	snop  }
0x152: {  	_ =	swait.ge [sflag:s11], $0x200  }
0x153: {  	[sflag:s11] =	ssyncset.done $0x0  }
0x154: {  	[sflag:s11] =	ssyncadd.s32 $0xFFFFFE00  }
.LBB2_31:
0x155: {  	s0 =	sld [smem:$0x7FA];
	_ =	sdelay $0x2  }
0x156: {  	p0 =	seq.s32 s0, $0x1  }
.Ltmp20:
0x157: {  	_ = 	snop;
	(pc) =	sbr.rel @!p0 .LBB2_32-.Ltmp20, $1  }
0x158: {  	_ =	sdelay $0x3  }
.LBB2_37:
.Ltmp21:
0x159: {  	(pc) =	sbr.rel @p2 .LBB2_44-.Ltmp21, $4  }
.Ltmp22:
0x15a: {  	(pc) =	sbr.rel @!p2 .LBB2_45-.Ltmp22, $4  }
0x15b: {  	_ =	swait.ge [sflag:s11], $0x200  }
0x15c: {  	[sflag:s11] =	ssyncset.done $0x0  }
0x15d: {  	[sflag:s11] =	ssyncadd.s32 $0xFFFFFE00  }
0x15e: {  	_ = 	snop  }
.LBB2_18:
0x15f: {  	p2 =	por @!p0 $0x0, $0x0;
	p4 =	por $0x0, $0x0  }
0x160: {  	p4 =	por @!p0 p2, p2  }
0x161: {  	p3 =	por @!p1 $0x1, $0x1;
	p2 =	por @!p1 $0x0, $0x0;
	p0 =	por p4, p4  }
0x162: {  	p4 =	por @!p1 p3, p3;
	p0 =	por @!p1 p2, p2  }
0x163: {  	p1 =	por @!p6 $0x1, $0x1;
	p2 =	por @!p6 $0x0, $0x0;
	p3 =	por p0, p0  }
0x164: {  	p5 =	por p0, p0;
	p4 =	por @!p6 p1, p1;
	p3 =	por @!p6 p2, p2  }
0x165: {  	p5 =	por @!p6 p1, p1;
	p1 =	por p0, p0;
	s0 =	simm.s32 @!p3 $0x0  }
0x166: {  	p1 =	por @!p6 p2, p2;
	s0 =	simm.s32 @p3 $0x1  }
0x167: {  	[smem:$0x7FC] =	sst s0;
	s0 =	simm.s32 @!p1 $0x0  }
0x168: {  	p3 =	por p0, p0;
	s0 =	simm.s32 @p1 $0x1  }
0x169: {  	p0 =	por @!p6 p2, p2;
	p3 =	por @!p6 p2, p2;
	[smem:$0x7FD] =	sst s0  }
.LBB2_20:
0x16a: {  	_ =	swait.ge [sflag:s11], $0x200  }
0x16b: {  	[sflag:s11] =	ssyncset.done $0x0  }
0x16c: {  	[sflag:s11] =	ssyncadd.s32 $0xFFFFFE00  }
0x16d: {  	_ =	swait.ge [sflag:s11], $0x200  }
0x16e: {  	[sflag:s11] =	ssyncset.done $0x0  }
0x16f: {  	[sflag:s11] =	ssyncadd.s32 $0xFFFFFE00  }
0x170: {  	_ =	swait.ge [sflag:s11], $0x200  }
0x171: {  	[sflag:s11] =	ssyncset.done $0x0  }
0x172: {  	[sflag:s11] =	ssyncadd.s32 $0xFFFFFE00  }
0x173: {  	_ =	swait.ge [sflag:s11], $0x200  }
0x174: {  	[sflag:s11] =	ssyncset.done $0x0  }
0x175: {  	[sflag:s11] =	ssyncadd.s32 $0xFFFFFE00  }
0x176: {  	_ =	swait.ge [sflag:s11], $0x200  }
0x177: {  	[sflag:s11] =	ssyncset.done $0x0  }
0x178: {  	[sflag:s11] =	ssyncadd.s32 $0xFFFFFE00  }
0x179: {  	_ =	swait.ge [sflag:s11], $0x200  }
0x17a: {  	[sflag:s11] =	ssyncset.done $0x0  }
0x17b: {  	[sflag:s11] =	ssyncadd.s32 $0xFFFFFE00  }
0x17c: {  	_ =	swait.ge [sflag:s11], $0x200  }
0x17d: {  	[sflag:s11] =	ssyncset.done $0x0  }
0x17e: {  	[sflag:s11] =	ssyncadd.s32 $0xFFFFFE00  }
0x17f: {  	p1 =	sgt.u32 s29, $0x120;
	_ =	swait.ge [sflag:s11], $0x200  }
.Ltmp23:
0x180: {  	[sflag:s11] =	ssyncset.done $0x0;
	(pc) =	sbr.rel @!p1 .LBB2_38-.Ltmp23, $4  }
0x181: {  	[sflag:s11] =	ssyncadd.s32 $0xFFFFFE00  }
0x182: {  	_ =	swait.ge [sflag:s11], $0x200  }
0x183: {  	[sflag:s11] =	ssyncset.done $0x0  }
0x184: {  	[sflag:s11] =	ssyncadd.s32 $0xFFFFFE00  }
.Ltmp24:
0x185: {  	(pc) =	sbr.rel @p4 .LBB2_39-.Ltmp24, $4  }
0x186: {  	_ = 	snop  }
0x187: {  	_ =	swait.ge [sflag:s11], $0x200  }
0x188: {  	[sflag:s11] =	ssyncset.done $0x0  }
0x189: {  	[sflag:s11] =	ssyncadd.s32 $0xFFFFFE00  }
.LBB2_22:
.Ltmp25:
0x18a: {  	(pc) =	sbr.rel @!p5 .LBB2_23-.Ltmp25, $1  }
0x18b: {  	_ =	sdelay $0x3  }
.LBB2_40:
0x18c: {  	_ =	swait.ge [sflag:s11], $0x200  }
0x18d: {  	s0 =	sld [smem:$0x7FD];
	_ =	sdelay $0x2  }
0x18e: {  	p1 =	seq.s32 s0, $0x1  }
.Ltmp26:
0x18f: {  	_ = 	snop;
	(pc) =	sbr.rel @p1 .LBB2_41-.Ltmp26, $3  }
0x190: {  	_ =	sdelay $0x1  }
0x191: {  	[sflag:s11] =	ssyncset.done $0x0  }
0x192: {  	[sflag:s11] =	ssyncadd.s32 $0xFFFFFE00  }
.LBB2_24:
.Ltmp27:
0x193: {  	(pc) =	sbr.rel @!p3 .LBB2_25-.Ltmp27, $1  }
0x194: {  	_ =	sdelay $0x3  }
.LBB2_42:
0x195: {  	_ =	swait.ge [sflag:s11], $0x200  }
0x196: {  	s0 =	sld [smem:$0x7FC];
	_ =	sdelay $0x2  }
0x197: {  	p1 =	seq.s32 s0, $0x1  }
.Ltmp28:
0x198: {  	_ = 	snop;
	(pc) =	sbr.rel @p1 .LBB2_43-.Ltmp28, $3  }
0x199: {  	_ =	sdelay $0x1  }
0x19a: {  	[sflag:s11] =	ssyncset.done $0x0  }
0x19b: {  	[sflag:s11] =	ssyncadd.s32 $0xFFFFFE00  }
.LBB2_26:
.Ltmp29:
0x19c: {  	(pc) =	sbr.rel @!p0 .LBB2_45-.Ltmp29, $4  }
.Ltmp30:
0x19d: {  	(pc) =	sbr.rel @p0 .LBB2_44-.Ltmp30, $4  }
0x19e: {  	_ = 	snop  }
0x19f: {  	_ = 	snop  }
0x1a0: {  	_ = 	snop  }
0x1a1: {  	_ = 	snop  }
.LBB2_33:
.Ltmp31:
0x1a2: {  	(pc) =	sbr.rel @!p3 .LBB2_29-.Ltmp31, $1  }
0x1a3: {  	_ =	sdelay $0x3  }
.LBB2_34:
.Ltmp32:
0x1a4: {  	(pc) =	sbr.rel @p6 .LBB2_35-.Ltmp32, $4  }
0x1a5: {  	_ = 	snop  }
0x1a6: {  	_ =	swait.ge [sflag:s11], $0x200  }
0x1a7: {  	[sflag:s11] =	ssyncset.done $0x0  }
0x1a8: {  	[sflag:s11] =	ssyncadd.s32 $0xFFFFFE00  }
.LBB2_30:
.Ltmp33:
0x1a9: {  	(pc) =	sbr.rel @!p1 .LBB2_31-.Ltmp33, $1  }
0x1aa: {  	_ =	sdelay $0x3  }
.LBB2_36:
0x1ab: {  	_ =	swait.ge [sflag:s11], $0x200  }
0x1ac: {  	s0 =	sld [smem:$0x7FA];
	_ =	sdelay $0x2  }
0x1ad: {  	p0 =	seq.s32 s0, $0x1  }
.Ltmp34:
0x1ae: {  	_ = 	snop;
	(pc) =	sbr.rel @p0 .LBB2_37-.Ltmp34, $3  }
0x1af: {  	_ =	sdelay $0x1  }
0x1b0: {  	[sflag:s11] =	ssyncset.done $0x0  }
0x1b1: {  	[sflag:s11] =	ssyncadd.s32 $0xFFFFFE00  }
.LBB2_32:
.Ltmp35:
0x1b2: {  	(pc) =	sbr.rel @!p2 .LBB2_45-.Ltmp35, $1  }
0x1b3: {  	_ =	sdelay $0x3  }
.LBB2_44:
0x1b4: {  	_ =	swait.ge [sflag:s11], $0x200  }
0x1b5: {  	[sflag:s11] =	ssyncset.done $0x0  }
0x1b6: {  	[sflag:s11] =	ssyncadd.s32 $0xFFFFFE00  }
.LBB2_45:
0x1b7: {  	s0 =	sadd.s32 $0xF, s29  }
0x1b8: {  	s3 =	sand.u32 $0xF, s0  }
0x1b9: {  	s28 =	sshra.s32 s0, $0x1F;
	p0 =	slt.s32 s0, $0x1;
	p1 =	sne.s32 s3, $0x0  }
0x1ba: {  	s31 =	sshrl.u32 s28, $0x1C;
	p0 =	por !p0, !p1  }
0x1bb: {  	s3 =	simm.s32 $0x1;
	s0 =	sadd.s32 s31, s0;
	p0 =	por !p0, !p0  }
0x1bc: {  	s0 =	sshra.s32 s0, $0x4;
	s3 =	simm.s32 @!p0 $0x0  }
0x1bd: {  	s0 =	ssub.s32 s0, s3  }
0x1be: {  	p0 =	slt.s32 s0, $0x1  }
.Ltmp36:
0x1bf: {  	_ = 	snop;
	(pc) =	sbr.rel @p0 .LBB2_49-.Ltmp36, $1  }
0x1c0: {  	_ =	sdelay $0x3  }
0x1c1: {  	s29 =	sadd.s32 $0x9000, s30  }
0x1c2: {  	v23 =	vld [tilespmem:s29+$0x0];
	_ =	sdelay $0x2  }
0x1c3: {  	s30 =	simm.s32 $0x0;
	s3 =	sadd.s32 $0x0, s8  }
0x1c4: {  	v22 =	vmov s25;
	v24 =	vadd.s32 s3, v0;
	v25 =	vmov s30  }
0x1c5: {  	vm0 =	vlt.s32 v24, v21;
	v24 =	vshll.u32 v25, $0x4;
	v23 =	vsub.s32 v23, v22  }
0x1c6: {  	v24 =	vor.u32 v2, v24;
	v23 =	vnsel vm0, $0x0, v23  }
0x1c7: {  	v25 =	vshll.u32 v23, $0x3  }
0x1c8: {  	v26 =	vand.u32 $0x7F, v23;
	v25 =	vand.u32 $0xFFFFFC00, v25  }
0x1c9: {  	v25 =	vor.u32 v26, v25  }
0x1ca: {  	v23 =	vand.u32 $0x7, v23;
	v26 =	vand.u32 $0xFFFFFC78, v25  }
0x1cb: {  	v27 =	vld.idx.msk [tilespmem:v24+s16+$0x0], vm0;
	v26 =	vor.u32 v23, v26  }
0x1cc: {  	v28 =	vor.u32 $0x1, v24;
	_ =	sdelay $0x3  }
0x1cd: {  	[tilespmem:v26+s12+$0x0] =	vst.idx.msk vm0, v27  }
0x1ce: {  	v42 =	vor.u32 $0x80, v26;
	v27 =	vld.idx.msk [tilespmem:v28+s16+$0x0], vm0  }
0x1cf: {  	v29 =	vor.u32 $0x2, v24;
	_ =	sdelay $0x3  }
0x1d0: {  	[tilespmem:v42+s12+$0x0] =	vst.idx.msk vm0, v27  }
0x1d1: {  	v43 =	vor.u32 $0x100, v26;
	v27 =	vld.idx.msk [tilespmem:v29+s16+$0x0], vm0  }
0x1d2: {  	v44 =	vor.u32 $0x3, v24;
	_ =	sdelay $0x3  }
0x1d3: {  	[tilespmem:v43+s12+$0x0] =	vst.idx.msk vm0, v27  }
0x1d4: {  	v45 =	vor.u32 $0x180, v26;
	v27 =	vld.idx.msk [tilespmem:v44+s16+$0x0], vm0  }
0x1d5: {  	v46 =	vor.u32 $0x4, v24;
	_ =	sdelay $0x3  }
0x1d6: {  	[tilespmem:v45+s12+$0x0] =	vst.idx.msk vm0, v27  }
0x1d7: {  	v47 =	vor.u32 $0x200, v26;
	v27 =	vld.idx.msk [tilespmem:v46+s16+$0x0], vm0  }
0x1d8: {  	v48 =	vor.u32 $0x5, v24;
	_ =	sdelay $0x3  }
0x1d9: {  	[tilespmem:v47+s12+$0x0] =	vst.idx.msk vm0, v27  }
0x1da: {  	v49 =	vor.u32 $0x280, v26;
	v27 =	vld.idx.msk [tilespmem:v48+s16+$0x0], vm0  }
0x1db: {  	v50 =	vor.u32 $0x6, v24;
	_ =	sdelay $0x3  }
0x1dc: {  	[tilespmem:v49+s12+$0x0] =	vst.idx.msk vm0, v27  }
0x1dd: {  	v51 =	vor.u32 $0x300, v26;
	v27 =	vld.idx.msk [tilespmem:v50+s16+$0x0], vm0  }
0x1de: {  	v52 =	vor.u32 $0x7, v24;
	_ =	sdelay $0x3  }
0x1df: {  	[tilespmem:v51+s12+$0x0] =	vst.idx.msk vm0, v27  }
0x1e0: {  	v53 =	vor.u32 $0x380, v26;
	v27 =	vld.idx.msk [tilespmem:v52+s16+$0x0], vm0  }
0x1e1: {  	v54 =	vor.u32 $0x8, v24;
	_ =	sdelay $0x3  }
0x1e2: {  	[tilespmem:v53+s12+$0x0] =	vst.idx.msk vm0, v27  }
0x1e3: {  	v55 =	vadd.s32 $0x1000, v26;
	v27 =	vld.idx.msk [tilespmem:v54+s16+$0x0], vm0  }
0x1e4: {  	v56 =	vor.u32 $0x9, v24;
	_ =	sdelay $0x2  }
0x1e5: {  	v30 =	vadd.s32 $0x1080, v25  }
0x1e6: {  	v30 =	vand.u32 $0xFFFFFCF8, v30;
	[tilespmem:v55+s12+$0x0] =	vst.idx.msk vm0, v27  }
0x1e7: {  	v27 =	vor.u32 v23, v30;
	v28 =	vld.idx.msk [tilespmem:v56+s16+$0x0], vm0  }
0x1e8: {  	v57 =	vor.u32 $0xA, v24;
	_ =	sdelay $0x2  }
0x1e9: {  	v58 =	vadd.s32 $0x1100, v25  }
0x1ea: {  	v30 =	vand.u32 $0xFFFFFD78, v58;
	[tilespmem:v27+s12+$0x0] =	vst.idx.msk vm0, v28  }
0x1eb: {  	v27 =	vor.u32 v23, v30;
	v28 =	vld.idx.msk [tilespmem:v57+s16+$0x0], vm0  }
0x1ec: {  	v59 =	vor.u32 $0xB, v24;
	_ =	sdelay $0x2  }
0x1ed: {  	v60 =	vadd.s32 $0x1180, v25  }
0x1ee: {  	v30 =	vand.u32 $0xFFFFFDF8, v60;
	[tilespmem:v27+s12+$0x0] =	vst.idx.msk vm0, v28  }
0x1ef: {  	v27 =	vor.u32 v23, v30;
	v28 =	vld.idx.msk [tilespmem:v59+s16+$0x0], vm0  }
0x1f0: {  	v61 =	vor.u32 $0xC, v24;
	_ =	sdelay $0x3  }
0x1f1: {  	[tilespmem:v27+s12+$0x0] =	vst.idx.msk vm0, v28  }
0x1f2: {  	v62 =	vadd.s32 $0x1200, v26;
	v27 =	vld.idx.msk [tilespmem:v61+s16+$0x0], vm0  }
0x1f3: {  	v63 =	vor.u32 $0xD, v24;
	_ =	sdelay $0x2  }
0x1f4: {  	v25 =	vadd.s32 $0x1280, v25  }
0x1f5: {  	v25 =	vand.u32 $0xFFFFFEF8, v25;
	[tilespmem:v62+s12+$0x0] =	vst.idx.msk vm0, v27  }
0x1f6: {  	v23 =	vor.u32 v23, v25;
	v25 =	vld.idx.msk [tilespmem:v63+s16+$0x0], vm0  }
0x1f7: {  	v27 =	vor.u32 $0xE, v24;
	_ =	sdelay $0x3  }
0x1f8: {  	[tilespmem:v23+s12+$0x0] =	vst.idx.msk vm0, v25  }
0x1f9: {  	v25 =	vadd.s32 $0x1300, v26;
	v23 =	vld.idx.msk [tilespmem:v27+s16+$0x0], vm0  }
0x1fa: {  	v24 =	vor.u32 $0xF, v24;
	_ =	sdelay $0x3  }
0x1fb: {  	p0 =	sne.s32 s0, $0x1;
	[tilespmem:v25+s12+$0x0] =	vst.idx.msk vm0, v23  }
.Ltmp37:
0x1fc: {  	v23 =	vld.idx.msk [tilespmem:v24+s16+$0x0], vm0;
	v24 =	vadd.s32 $0x1380, v26;
	(pc) =	sbr.rel @!p0 .LBB2_48-.Ltmp37, $2  }
0x1fd: {  	_ =	sdelay $0x2  }
0x1fe: {  	s31 =	sadd.s32 $0xFFFFFFFF, s0  }
.LBB2_47:
0x1ff: {  	p0 =	sne.s32 s31, $0x1;
	[tilespmem:v24+s12+$0x0] =	vst.idx.msk vm0, v23;
	s29 =	sadd.s32 $0x10, s29;
	s30 =	sadd.s32 $0x10, s30  }
0x200: {  	s31 =	sadd.s32 $0xFFFFFFFF, s31;
	v23 =	vld [tilespmem:s29+$0x0];
	_ =	sdelay $0x1  }
0x201: {  	s0 =	sadd.s32 s30, s8  }
0x202: {  	v25 =	vmov s30;
	v24 =	vadd.s32 s0, v0  }
0x203: {  	vm0 =	vlt.s32 v24, v21;
	v24 =	vshll.u32 v25, $0x4  }
0x204: {  	v25 =	vsub.s32 v23, v22;
	v23 =	vor.u32 v2, v24  }
0x205: {  	v24 =	vnsel vm0, $0x0, v25  }
0x206: {  	v25 =	vshll.u32 v24, $0x3  }
0x207: {  	v26 =	vand.u32 $0x7F, v24;
	v25 =	vand.u32 $0xFFFFFC00, v25  }
0x208: {  	v25 =	vor.u32 v26, v25  }
0x209: {  	v28 =	vand.u32 $0x7, v24;
	v26 =	vld.idx.msk [tilespmem:v23+s16+$0x0], vm0;
	v27 =	vand.u32 $0xFFFFFC78, v25;
	v29 =	vadd.s32 $0x1080, v25  }
0x20a: {  	v24 =	vor.u32 v28, v27;
	v27 =	vand.u32 $0xFFFFFCF8, v29;
	v29 =	vadd.s32 $0x1100, v25  }
0x20b: {  	v30 =	vor.u32 $0x1, v23;
	v27 =	vor.u32 v28, v27;
	v29 =	vand.u32 $0xFFFFFD78, v29  }
0x20c: {  	v31 =	vadd.s32 $0x1180, v25;
	v25 =	vadd.s32 $0x1280, v25;
	v29 =	vor.u32 v28, v29  }
0x20d: {  	v31 =	vand.u32 $0xFFFFFDF8, v31;
	v25 =	vand.u32 $0xFFFFFEF8, v25  }
0x20e: {  	v31 =	vor.u32 v28, v31;
	v25 =	vor.u32 v28, v25  }
0x20f: {  	[tilespmem:v24+s12+$0x0] =	vst.idx.msk vm0, v26  }
0x210: {  	v26 =	vld.idx.msk [tilespmem:v30+s16+$0x0], vm0  }
0x211: {  	v28 =	vor.u32 $0x80, v24  }
0x212: {  	v30 =	vor.u32 $0x2, v23;
	_ =	sdelay $0x3  }
0x213: {  	[tilespmem:v28+s12+$0x0] =	vst.idx.msk vm0, v26  }
0x214: {  	v26 =	vld.idx.msk [tilespmem:v30+s16+$0x0], vm0  }
0x215: {  	v28 =	vor.u32 $0x100, v24  }
0x216: {  	v30 =	vor.u32 $0x3, v23;
	_ =	sdelay $0x3  }
0x217: {  	[tilespmem:v28+s12+$0x0] =	vst.idx.msk vm0, v26  }
0x218: {  	v26 =	vld.idx.msk [tilespmem:v30+s16+$0x0], vm0  }
0x219: {  	v28 =	vor.u32 $0x180, v24  }
0x21a: {  	v30 =	vor.u32 $0x4, v23;
	_ =	sdelay $0x3  }
0x21b: {  	[tilespmem:v28+s12+$0x0] =	vst.idx.msk vm0, v26  }
0x21c: {  	v26 =	vld.idx.msk [tilespmem:v30+s16+$0x0], vm0  }
0x21d: {  	v28 =	vor.u32 $0x200, v24  }
0x21e: {  	v30 =	vor.u32 $0x5, v23;
	_ =	sdelay $0x3  }
0x21f: {  	[tilespmem:v28+s12+$0x0] =	vst.idx.msk vm0, v26  }
0x220: {  	v26 =	vld.idx.msk [tilespmem:v30+s16+$0x0], vm0  }
0x221: {  	v28 =	vor.u32 $0x280, v24  }
0x222: {  	v30 =	vor.u32 $0x6, v23;
	_ =	sdelay $0x3  }
0x223: {  	[tilespmem:v28+s12+$0x0] =	vst.idx.msk vm0, v26  }
0x224: {  	v26 =	vld.idx.msk [tilespmem:v30+s16+$0x0], vm0  }
0x225: {  	v28 =	vor.u32 $0x300, v24  }
0x226: {  	v30 =	vor.u32 $0x7, v23;
	_ =	sdelay $0x3  }
0x227: {  	[tilespmem:v28+s12+$0x0] =	vst.idx.msk vm0, v26  }
0x228: {  	v26 =	vld.idx.msk [tilespmem:v30+s16+$0x0], vm0  }
0x229: {  	v28 =	vor.u32 $0x380, v24  }
0x22a: {  	v30 =	vor.u32 $0x8, v23;
	_ =	sdelay $0x3  }
0x22b: {  	[tilespmem:v28+s12+$0x0] =	vst.idx.msk vm0, v26  }
0x22c: {  	v26 =	vld.idx.msk [tilespmem:v30+s16+$0x0], vm0  }
0x22d: {  	v28 =	vadd.s32 $0x1000, v24  }
0x22e: {  	v30 =	vor.u32 $0x9, v23;
	_ =	sdelay $0x3  }
0x22f: {  	[tilespmem:v28+s12+$0x0] =	vst.idx.msk vm0, v26  }
0x230: {  	v26 =	vld.idx.msk [tilespmem:v30+s16+$0x0], vm0;
	_ =	sdelay $0x1  }
0x231: {  	v28 =	vor.u32 $0xA, v23;
	_ =	sdelay $0x3  }
0x232: {  	[tilespmem:v27+s12+$0x0] =	vst.idx.msk vm0, v26  }
0x233: {  	v26 =	vld.idx.msk [tilespmem:v28+s16+$0x0], vm0;
	_ =	sdelay $0x1  }
0x234: {  	v27 =	vor.u32 $0xB, v23;
	_ =	sdelay $0x3  }
0x235: {  	[tilespmem:v29+s12+$0x0] =	vst.idx.msk vm0, v26  }
0x236: {  	v26 =	vld.idx.msk [tilespmem:v27+s16+$0x0], vm0;
	_ =	sdelay $0x1  }
0x237: {  	v27 =	vor.u32 $0xC, v23;
	_ =	sdelay $0x3  }
0x238: {  	[tilespmem:v31+s12+$0x0] =	vst.idx.msk vm0, v26  }
0x239: {  	v26 =	vld.idx.msk [tilespmem:v27+s16+$0x0], vm0  }
0x23a: {  	v27 =	vadd.s32 $0x1200, v24  }
0x23b: {  	v28 =	vor.u32 $0xD, v23;
	_ =	sdelay $0x3  }
0x23c: {  	[tilespmem:v27+s12+$0x0] =	vst.idx.msk vm0, v26  }
0x23d: {  	v26 =	vld.idx.msk [tilespmem:v28+s16+$0x0], vm0;
	_ =	sdelay $0x1  }
0x23e: {  	v27 =	vor.u32 $0xE, v23;
	_ =	sdelay $0x3  }
0x23f: {  	[tilespmem:v25+s12+$0x0] =	vst.idx.msk vm0, v26  }
0x240: {  	v25 =	vld.idx.msk [tilespmem:v27+s16+$0x0], vm0  }
0x241: {  	v26 =	vadd.s32 $0x1300, v24  }
0x242: {  	v23 =	vor.u32 $0xF, v23;
	_ =	sdelay $0x1  }
.Ltmp38:
0x243: {  	(pc) =	sbr.rel @p0 .LBB2_47-.Ltmp38, $4  }
0x244: {  	_ = 	snop  }
0x245: {  	[tilespmem:v26+s12+$0x0] =	vst.idx.msk vm0, v25  }
0x246: {  	v23 =	vld.idx.msk [tilespmem:v23+s16+$0x0], vm0  }
0x247: {  	v24 =	vadd.s32 $0x1380, v24  }
.Ltmp39:
0x248: {  	_ = 	snop;
	(pc) =	sbr.rel .LBB2_48-.Ltmp39, $1  }
0x249: {  	_ =	sdelay $0x3  }
.LBB2_38:
.Ltmp40:
0x24a: {  	(pc) =	sbr.rel @!p4 .LBB2_22-.Ltmp40, $1  }
0x24b: {  	_ =	sdelay $0x3  }
.LBB2_39:
.Ltmp41:
0x24c: {  	(pc) =	sbr.rel @p5 .LBB2_40-.Ltmp41, $4  }
0x24d: {  	_ = 	snop  }
0x24e: {  	_ =	swait.ge [sflag:s11], $0x200  }
0x24f: {  	[sflag:s11] =	ssyncset.done $0x0  }
0x250: {  	[sflag:s11] =	ssyncadd.s32 $0xFFFFFE00  }
.LBB2_23:
0x251: {  	s0 =	sld [smem:$0x7FD];
	_ =	sdelay $0x2  }
0x252: {  	p1 =	seq.s32 s0, $0x1  }
.Ltmp42:
0x253: {  	_ = 	snop;
	(pc) =	sbr.rel @!p1 .LBB2_24-.Ltmp42, $1  }
0x254: {  	_ =	sdelay $0x3  }
.LBB2_41:
.Ltmp43:
0x255: {  	(pc) =	sbr.rel @p3 .LBB2_42-.Ltmp43, $4  }
0x256: {  	_ = 	snop  }
0x257: {  	_ =	swait.ge [sflag:s11], $0x200  }
0x258: {  	[sflag:s11] =	ssyncset.done $0x0  }
0x259: {  	[sflag:s11] =	ssyncadd.s32 $0xFFFFFE00  }
.LBB2_25:
0x25a: {  	s0 =	sld [smem:$0x7FC];
	_ =	sdelay $0x2  }
0x25b: {  	p1 =	seq.s32 s0, $0x1  }
.Ltmp44:
0x25c: {  	_ = 	snop;
	(pc) =	sbr.rel @!p1 .LBB2_26-.Ltmp44, $1  }
0x25d: {  	_ =	sdelay $0x3  }
.LBB2_43:
.Ltmp45:
0x25e: {  	(pc) =	sbr.rel @!p0 .LBB2_45-.Ltmp45, $4  }
.Ltmp46:
0x25f: {  	(pc) =	sbr.rel @p0 .LBB2_44-.Ltmp46, $4  }
0x260: {  	_ =	swait.ge [sflag:s11], $0x200  }
0x261: {  	[sflag:s11] =	ssyncset.done $0x0  }
0x262: {  	[sflag:s11] =	ssyncadd.s32 $0xFFFFFE00  }
0x263: {  	_ = 	snop  }
.LBB2_51:
0x264: {  	_ =	sfence.sel $0x180000  }
0x265: {  	[bflag:$0x0] =	sbarrier.arrive $0xFFFF  }
0x266: {  	_ =	strace $0x90000047  }
0x267: {  	s0 =	stileid.u32;
	[bflag:$0x2] =	sbarrier.arrive $0xFFFF  }
0x268: {  	p0 =	sne.s32 s0, $0x0;
	s0 =	rddreg [dreg:$0x4]  }
0x269: {  	s0 =	sadd.s32 @!p0 $0x100000, s0  }
0x26a: {  	[sflag:s0] =	ssyncadd.tile.s32 @!p0 $0x1;
	_ =	shalt  }
.Lfunc_end2:
_tile_overlayer_lowered:
.L_overlay_start_2:
0x26b: {  	(tag) =	ssettag $0x2  }
0x26c: {  	s0 =	rddreg [dreg:$0x0];
	s2 =	stileid.u32  }
0x26d: {  	s1 =	rddreg [dreg:$0x1];
	p0 =	sne.s32 s2, $0x0  }
0x26e: {  	s3 =	rddreg [dreg:$0x2];
	[bflag:$0x3] =	sbarrier.arrive $0xFFFF;
	s2 =	simm.s32 @!p0 $0x1C02  }
0x26f: {  	[timem:s3], [sflag:s2] =	dma.local @!p0 [hbm:s0], s1  }
0x270: {  	s0 =	simm.s32 @!p0 $0x2  }
0x271: {  	_ =	swait.ge @!p0 [sflag:s0], s1  }
0x272: {  	s1 =	ssub.s32 @!p0 $0x0, s1;
	[sflag:s0] =	ssyncset.done @!p0 $0x0  }
0x273: {  	[sflag:s0] =	ssyncadd.s32 @!p0 s1  }
0x274: {  	[bflag:$0x3] =	sbarrier.arrive $0xFFFF  }
0x275: {  	_ =	shalt  }

</sc_bundles>
